<compile_context>
chip_gen: v7x
topology: tpu7x:2x2x1
jax: 0.10.2.dev20260603
libtpu: 0.0.44.dev20260713+nightly
codegen_flags: <defaults>
</compile_context>

<pallas_src>
import jax
import jax.numpy as jnp
import numpy as np
from jax import lax
from jax.experimental import pallas as pl
from jax.experimental.pallas import tpu as pltpu
from jax.experimental.pallas import tpu_sc as plsc

EMB_DIM = 128
BATCH_N = 16384
N_CORES = 2
N_SUBCORES = 16
LANES = 16
SEGS = EMB_DIM // LANES
N_WORKERS = N_CORES * N_SUBCORES
ROWS_PER_WORKER = BATCH_N // N_WORKERS
CHUNK = 64
N_CHUNKS = ROWS_PER_WORKER // CHUNK
GROUPS = CHUNK // LANES
PACKED_W = EMB_DIM // 2


def _pack_bf16_table(w):
    w4 = lax.bitcast_convert_type(
        w.reshape(w.shape[0], EMB_DIM // 32, 2, 16), jnp.int32)
    lo = jax.lax.shift_right_logical(w4[:, :, 0, :], 16)
    hi = jnp.bitwise_and(w4[:, :, 1, :], jnp.int32(-65536))
    return jnp.bitwise_or(lo, hi).reshape(w.shape[0], PACKED_W)


def _sc_body(h_hbm, t_hbm, r_hbm, ent_hbm, reln_hbm, out_hbm,
             hi_all, ti_all, ri_all,
             hr2, tr2, rn2, score_all, sems):
    wid = lax.axis_index("s") * N_CORES + lax.axis_index("c")
    base = wid * ROWS_PER_WORKER
    lanes = lax.iota(jnp.int32, LANES)

    pltpu.sync_copy(h_hbm.at[pl.ds(base, ROWS_PER_WORKER)], hi_all)
    pltpu.sync_copy(t_hbm.at[pl.ds(base, ROWS_PER_WORKER)], ti_all)
    pltpu.sync_copy(r_hbm.at[pl.ds(base, ROWS_PER_WORKER)], ri_all)

    def fire(ck, par):
        sl = pl.ds(ck * CHUNK, CHUNK)
        sem = sems.at[par]
        pltpu.async_copy(ent_hbm.at[hi_all.at[sl]], hr2.at[par], sem)
        pltpu.async_copy(ent_hbm.at[ti_all.at[sl]], tr2.at[par], sem)
        pltpu.async_copy(reln_hbm.at[ri_all.at[sl]], rn2.at[par], sem)

    def wait3(par):
        sl = pl.ds(0, CHUNK)
        sem = sems.at[par]
        pltpu.make_async_copy(ent_hbm.at[hi_all.at[sl]], hr2.at[par],
                              sem).wait()
        pltpu.make_async_copy(ent_hbm.at[ti_all.at[sl]], tr2.at[par],
                              sem).wait()
        pltpu.make_async_copy(reln_hbm.at[ri_all.at[sl]], rn2.at[par],
                              sem).wait()

    fire(0, 0)
    fire(1, 1)

    def chunk_body(ck, carry):
        par = lax.rem(ck, 3)

        @pl.when(ck < N_CHUNKS - 2)
        def _():
            fire(ck + 2, lax.rem(ck + 2, 3))

        wait3(par)
        lane0 = lanes == 0

        @plsc.parallel_loop(0, CHUNK, step=1, unroll=4)
        def row_body(i):
            d = [hr2[par, i, pl.ds(j * LANES, LANES)]
                 - tr2[par, i, pl.ds(j * LANES, LANES)]
                 for j in range(SEGS)]
            n = []
            for blk in range(SEGS // 2):
                nw = rn2[par, i, pl.ds(PACKED_W + blk * LANES, LANES)]
                n.append(plsc.bitcast(
                    lax.shift_left(nw, 16), jnp.float32))
                n.append(plsc.bitcast(
                    jnp.bitwise_and(nw, jnp.int32(-65536)), jnp.float32))
            dot = d[0] * n[0]
            for j in range(1, SEGS):
                dot = dot + d[j] * n[j]
            u = []
            for blk in range(SEGS // 2):
                rw = rn2[par, i, pl.ds(blk * LANES, LANES)]
                u.append(d[2 * blk] + plsc.bitcast(
                    lax.shift_left(rw, 16), jnp.float32))
                u.append(d[2 * blk + 1] + plsc.bitcast(
                    jnp.bitwise_and(rw, jnp.int32(-65536)), jnp.float32))
            s = jnp.sum(dot)
            acc = jnp.abs(u[0] - s * n[0])
            for j in range(1, SEGS):
                acc = acc + jnp.abs(u[j] - s * n[j])
            sc = jnp.sum(acc)
            idx = jnp.full((LANES,), 0, jnp.int32) + (ck * CHUNK + i)
            plsc.store_scatter(score_all, [idx],
                               jnp.zeros((LANES,), jnp.float32) + sc,
                               mask=lane0)

        return carry

    lax.fori_loop(0, N_CHUNKS, chunk_body, 0)
    pltpu.sync_copy(score_all, out_hbm.at[pl.ds(base, ROWS_PER_WORKER)])


def kernel(h, t, r, ent_weight, rel_weight, norm_weight):
    mesh = plsc.VectorSubcoreMesh(core_axis_name="c", subcore_axis_name="s")
    run = pl.kernel(
        _sc_body,
        out_type=jax.ShapeDtypeStruct((BATCH_N,), jnp.float32),
        mesh=mesh,
        compiler_params=pltpu.CompilerParams(needs_layout_passes=False),
        scratch_types=[
            pltpu.VMEM((ROWS_PER_WORKER,), jnp.int32),
            pltpu.VMEM((ROWS_PER_WORKER,), jnp.int32),
            pltpu.VMEM((ROWS_PER_WORKER,), jnp.int32),
            pltpu.VMEM((3, CHUNK, EMB_DIM), jnp.float32),
            pltpu.VMEM((3, CHUNK, EMB_DIM), jnp.float32),
            pltpu.VMEM((3, CHUNK, 2 * PACKED_W), jnp.int32),
            pltpu.VMEM((ROWS_PER_WORKER,), jnp.float32),
            pltpu.SemaphoreType.DMA((3,)),
        ],
    )
    reln = jnp.concatenate(
        [_pack_bf16_table(rel_weight), _pack_bf16_table(norm_weight)], axis=1)
    return run(h.astype(jnp.int32), t.astype(jnp.int32), r.astype(jnp.int32),
               ent_weight, reln)

# --- scband reference (transcript-rebuilt; emitter-appended) ---
"""Pipeline reference for scband-trans-hmodel-35716948033795 (READ-ONLY COPY).

The authoritative reference and input builder live on the scoring server;
editing this copy changes nothing except your own understanding.
"""

import jax, jax.numpy as jnp
import numpy as np

ENT_TOTAL = 1000000
REL_TOTAL = 1000
EMB = 128
BATCH = 16384
L1_FLAG = True

def _xavier_uniform(key, shape):
    fan_in, fan_out = shape[1], shape[0]
    a = np.sqrt(6.0 / (fan_in + fan_out))
    return jax.random.uniform(key, shape, minval=-a, maxval=a, dtype=jnp.float32)

def _l2_normalize(x):
    return x / jnp.maximum(jnp.linalg.norm(x, ord=2, axis=1, keepdims=True), 1e-12)

def setup_inputs(seed: int = 0) -> dict:
    key = jax.random.key(seed)
    k1, k2, k3, k4, k5, k6 = jax.random.split(key, 6)
    ent_w = _l2_normalize(_xavier_uniform(k1, (ENT_TOTAL, EMB)))
    rel_w = _l2_normalize(_xavier_uniform(k2, (REL_TOTAL, EMB)))
    norm_w = _l2_normalize(_xavier_uniform(k3, (REL_TOTAL, EMB)))
    h = jax.random.randint(k4, (BATCH,), 0, ENT_TOTAL, dtype=jnp.int64 if jax.config.jax_enable_x64 else jnp.int32)
    t = jax.random.randint(k5, (BATCH,), 0, ENT_TOTAL, dtype=jnp.int64 if jax.config.jax_enable_x64 else jnp.int32)
    r = jax.random.randint(k6, (BATCH,), 0, REL_TOTAL, dtype=jnp.int64 if jax.config.jax_enable_x64 else jnp.int32)
    return {"h": h, "t": t, "r": r, "ent_weight": ent_w, "rel_weight": rel_w, "norm_weight": norm_w}

def _projection_transH(original, norm):
    # original: [B, D], norm: [B, D]
    return original - jnp.sum(original * norm, axis=1, keepdims=True) * norm

def reference(h, t, r, ent_weight, rel_weight, norm_weight):
    h_e = jnp.take(ent_weight, h, axis=0)
    t_e = jnp.take(ent_weight, t, axis=0)
    r_e = jnp.take(rel_weight, r, axis=0)
    norm_e = jnp.take(norm_weight, r, axis=0)
    proj_h_e = _projection_transH(h_e, norm_e)
    proj_t_e = _projection_transH(t_e, norm_e)
    if L1_FLAG:
        score = jnp.sum(jnp.abs(proj_h_e + r_e - proj_t_e), axis=1)
    else:
        score = jnp.sum((proj_h_e + r_e - proj_t_e) ** 2, axis=1)
    return score

if __name__ == "__main__":
    import jax
    _d = setup_inputs()
    print(jax.jit(kernel)(*tuple(_d.values())))

</pallas_src>

<mosaic_0001>
#map = affine_map<(d0, d1) -> (0)>
#map1 = affine_map<(d0, d1) -> (0, 0)>
module attributes {stable_mosaic.version = 14 : i64} {
  func.func @_sc_body(%arg0: i32, %arg1: i32, %arg2: memref<16384xi32, #tpu.memory_space<hbm>>, %arg3: memref<16384xi32, #tpu.memory_space<hbm>>, %arg4: memref<16384xi32, #tpu.memory_space<hbm>>, %arg5: memref<1000000x128xf32, #tpu.memory_space<hbm>>, %arg6: memref<1000x128xi32, #tpu.memory_space<hbm>>, %arg7: memref<16384xf32, #tpu.memory_space<hbm>>, %arg8: memref<512xi32, #tpu.memory_space<vmem>>, %arg9: memref<512xi32, #tpu.memory_space<vmem>>, %arg10: memref<512xi32, #tpu.memory_space<vmem>>, %arg11: memref<3x64x128xf32, #tpu.memory_space<vmem>>, %arg12: memref<3x64x128xf32, #tpu.memory_space<vmem>>, %arg13: memref<3x64x128xi32, #tpu.memory_space<vmem>>, %arg14: memref<512xf32, #tpu.memory_space<vmem>>, %arg15: memref<3x!tpu.dma_semaphore, #tpu.memory_space<semaphore_mem>>) attributes {dimension_semantics = [#tpu.dimension_semantics<core_parallel>, #tpu.dimension_semantics<subcore_parallel>], iteration_bounds = array<i64: 2, 16>, scalar_prefetch = 0 : i64, scratch_operands = 8 : i64, tpu.core_type = #tpu.core_type<sc_vector_subcore>, window_params = [{transform_indices = #map}, {transform_indices = #map}, {transform_indices = #map}, {transform_indices = #map1}, {transform_indices = #map1}, {transform_indices = #map}]} {
    %mul3A = arith.constant 2 : i32
    %mul3A_0 = arith.muli %arg1, %mul3A : i32
    %add3A = arith.addi %mul3A_0, %arg0 : i32
    %mul3A_1 = arith.constant 512 : i32
    %mul3A_2 = arith.muli %add3A, %mul3A_1 : i32
    %iota3A = tpu.iota {dimensions = array<i32: 0>} : vector<16xi32>
    "tpu.region"() ({
      %run_scoped3A = tpu.sem_alloc : memref<!tpu.dma_semaphore, #tpu.memory_space<semaphore_mem>>
      %dma_start3A_85 = tpu.memref_slice %arg2[%mul3A_2] : memref<16384xi32, #tpu.memory_space<hbm>> -> memref<512xi32, #tpu.memory_space<hbm>>
      %dma_start3A_86 = tpu.memref_slice %arg2[%mul3A_2] : memref<16384xi32, #tpu.memory_space<hbm>> -> memref<512xi32, #tpu.memory_space<hbm>>
      tpu.enqueue_dma source(%dma_start3A_86 : memref<512xi32, #tpu.memory_space<hbm>>) target(%arg8 : memref<512xi32, #tpu.memory_space<vmem>>) target_semaphore(%run_scoped3A : memref<!tpu.dma_semaphore, #tpu.memory_space<semaphore_mem>>)
      %dma_wait3A = tpu.memref_slice %arg2[%mul3A_2] : memref<16384xi32, #tpu.memory_space<hbm>> -> memref<512xi32, #tpu.memory_space<hbm>>
      %dma_wait3A_87 = tpu.memref_slice %arg2[%mul3A_2] : memref<16384xi32, #tpu.memory_space<hbm>> -> memref<512xi32, #tpu.memory_space<hbm>>
      tpu.wait_dma2 semaphore(%run_scoped3A : memref<!tpu.dma_semaphore, #tpu.memory_space<semaphore_mem>>) src(%dma_wait3A_87 : memref<512xi32, #tpu.memory_space<hbm>>) dst(%arg8 : memref<512xi32, #tpu.memory_space<vmem>>)
      tpu.yield
    }) : () -> ()
    "tpu.region"() ({
      %run_scoped3A = tpu.sem_alloc : memref<!tpu.dma_semaphore, #tpu.memory_space<semaphore_mem>>
      %dma_start3A_85 = tpu.memref_slice %arg3[%mul3A_2] : memref<16384xi32, #tpu.memory_space<hbm>> -> memref<512xi32, #tpu.memory_space<hbm>>
      %dma_start3A_86 = tpu.memref_slice %arg3[%mul3A_2] : memref<16384xi32, #tpu.memory_space<hbm>> -> memref<512xi32, #tpu.memory_space<hbm>>
      tpu.enqueue_dma source(%dma_start3A_86 : memref<512xi32, #tpu.memory_space<hbm>>) target(%arg9 : memref<512xi32, #tpu.memory_space<vmem>>) target_semaphore(%run_scoped3A : memref<!tpu.dma_semaphore, #tpu.memory_space<semaphore_mem>>)
      %dma_wait3A = tpu.memref_slice %arg3[%mul3A_2] : memref<16384xi32, #tpu.memory_space<hbm>> -> memref<512xi32, #tpu.memory_space<hbm>>
      %dma_wait3A_87 = tpu.memref_slice %arg3[%mul3A_2] : memref<16384xi32, #tpu.memory_space<hbm>> -> memref<512xi32, #tpu.memory_space<hbm>>
      tpu.wait_dma2 semaphore(%run_scoped3A : memref<!tpu.dma_semaphore, #tpu.memory_space<semaphore_mem>>) src(%dma_wait3A_87 : memref<512xi32, #tpu.memory_space<hbm>>) dst(%arg9 : memref<512xi32, #tpu.memory_space<vmem>>)
      tpu.yield
    }) : () -> ()
    "tpu.region"() ({
      %run_scoped3A = tpu.sem_alloc : memref<!tpu.dma_semaphore, #tpu.memory_space<semaphore_mem>>
      %dma_start3A_85 = tpu.memref_slice %arg4[%mul3A_2] : memref<16384xi32, #tpu.memory_space<hbm>> -> memref<512xi32, #tpu.memory_space<hbm>>
      %dma_start3A_86 = tpu.memref_slice %arg4[%mul3A_2] : memref<16384xi32, #tpu.memory_space<hbm>> -> memref<512xi32, #tpu.memory_space<hbm>>
      tpu.enqueue_dma source(%dma_start3A_86 : memref<512xi32, #tpu.memory_space<hbm>>) target(%arg10 : memref<512xi32, #tpu.memory_space<vmem>>) target_semaphore(%run_scoped3A : memref<!tpu.dma_semaphore, #tpu.memory_space<semaphore_mem>>)
      %dma_wait3A = tpu.memref_slice %arg4[%mul3A_2] : memref<16384xi32, #tpu.memory_space<hbm>> -> memref<512xi32, #tpu.memory_space<hbm>>
      %dma_wait3A_87 = tpu.memref_slice %arg4[%mul3A_2] : memref<16384xi32, #tpu.memory_space<hbm>> -> memref<512xi32, #tpu.memory_space<hbm>>
      tpu.wait_dma2 semaphore(%run_scoped3A : memref<!tpu.dma_semaphore, #tpu.memory_space<semaphore_mem>>) src(%dma_wait3A_87 : memref<512xi32, #tpu.memory_space<hbm>>) dst(%arg10 : memref<512xi32, #tpu.memory_space<vmem>>)
      tpu.yield
    }) : () -> ()
    %dma_start3A = arith.constant 0 : i32
    %dma_start3A_3 = arith.constant 0 : i32
    %dma_start3A_4 = arith.constant 0 : i32
    %dma_start3A_5 = arith.constant 0 : i32
    %dma_start3A_6 = tpu.memref_slice %arg11[%dma_start3A, %dma_start3A_4, %dma_start3A_5] : memref<3x64x128xf32, #tpu.memory_space<vmem>> -> memref<1x64x128xf32, #tpu.memory_space<vmem>>
    %dma_start3A_7 = tpu.memref_squeeze %dma_start3A_6 : memref<1x64x128xf32, #tpu.memory_space<vmem>> -> memref<64x128xf32, #tpu.memory_space<vmem>>
    %dma_start3A_8 = arith.constant 0 : i32
    %dma_start3A_9 = tpu.memref_slice %arg8[%dma_start3A_8] : memref<512xi32, #tpu.memory_space<vmem>> -> memref<64xi32, #tpu.memory_space<vmem>>
    %dma_start3A_10 = arith.constant 0 : i32
    %dma_start3A_11 = arith.constant 0 : i32
    %dma_start3A_12 = tpu.memref_slice %arg5[%dma_start3A_10, %dma_start3A_11] : memref<1000000x128xf32, #tpu.memory_space<hbm>> -> memref<1000000x128xf32, #tpu.memory_space<hbm>>
    %dma_start3A_13 = tpu.memref_slice %arg15[%dma_start3A_3] : memref<3x!tpu.dma_semaphore, #tpu.memory_space<semaphore_mem>> -> memref<1x!tpu.dma_semaphore, #tpu.memory_space<semaphore_mem>>
    %dma_start3A_14 = tpu.memref_squeeze %dma_start3A_13 : memref<1x!tpu.dma_semaphore, #tpu.memory_space<semaphore_mem>> -> memref<!tpu.dma_semaphore, #tpu.memory_space<semaphore_mem>>
    tpu.enqueue_indirect_dma source(%dma_start3A_12 : memref<1000000x128xf32, #tpu.memory_space<hbm>>) target(%dma_start3A_7 : memref<64x128xf32, #tpu.memory_space<vmem>>) offsets(%dma_start3A_9 : memref<64xi32, #tpu.memory_space<vmem>>) semaphore(%dma_start3A_14 : memref<!tpu.dma_semaphore, #tpu.memory_space<semaphore_mem>>)
    %dma_start3A_15 = arith.constant 0 : i32
    %dma_start3A_16 = arith.constant 0 : i32
    %dma_start3A_17 = arith.constant 0 : i32
    %dma_start3A_18 = arith.constant 0 : i32
    %dma_start3A_19 = tpu.memref_slice %arg12[%dma_start3A_15, %dma_start3A_17, %dma_start3A_18] : memref<3x64x128xf32, #tpu.memory_space<vmem>> -> memref<1x64x128xf32, #tpu.memory_space<vmem>>
    %dma_start3A_20 = tpu.memref_squeeze %dma_start3A_19 : memref<1x64x128xf32, #tpu.memory_space<vmem>> -> memref<64x128xf32, #tpu.memory_space<vmem>>
    %dma_start3A_21 = arith.constant 0 : i32
    %dma_start3A_22 = tpu.memref_slice %arg9[%dma_start3A_21] : memref<512xi32, #tpu.memory_space<vmem>> -> memref<64xi32, #tpu.memory_space<vmem>>
    %dma_start3A_23 = arith.constant 0 : i32
    %dma_start3A_24 = arith.constant 0 : i32
    %dma_start3A_25 = tpu.memref_slice %arg5[%dma_start3A_23, %dma_start3A_24] : memref<1000000x128xf32, #tpu.memory_space<hbm>> -> memref<1000000x128xf32, #tpu.memory_space<hbm>>
    %dma_start3A_26 = tpu.memref_slice %arg15[%dma_start3A_16] : memref<3x!tpu.dma_semaphore, #tpu.memory_space<semaphore_mem>> -> memref<1x!tpu.dma_semaphore, #tpu.memory_space<semaphore_mem>>
    %dma_start3A_27 = tpu.memref_squeeze %dma_start3A_26 : memref<1x!tpu.dma_semaphore, #tpu.memory_space<semaphore_mem>> -> memref<!tpu.dma_semaphore, #tpu.memory_space<semaphore_mem>>
    tpu.enqueue_indirect_dma source(%dma_start3A_25 : memref<1000000x128xf32, #tpu.memory_space<hbm>>) target(%dma_start3A_20 : memref<64x128xf32, #tpu.memory_space<vmem>>) offsets(%dma_start3A_22 : memref<64xi32, #tpu.memory_space<vmem>>) semaphore(%dma_start3A_27 : memref<!tpu.dma_semaphore, #tpu.memory_space<semaphore_mem>>)
    %dma_start3A_28 = arith.constant 0 : i32
    %dma_start3A_29 = arith.constant 0 : i32
    %dma_start3A_30 = arith.constant 0 : i32
    %dma_start3A_31 = arith.constant 0 : i32
    %dma_start3A_32 = tpu.memref_slice %arg13[%dma_start3A_28, %dma_start3A_30, %dma_start3A_31] : memref<3x64x128xi32, #tpu.memory_space<vmem>> -> memref<1x64x128xi32, #tpu.memory_space<vmem>>
    %dma_start3A_33 = tpu.memref_squeeze %dma_start3A_32 : memref<1x64x128xi32, #tpu.memory_space<vmem>> -> memref<64x128xi32, #tpu.memory_space<vmem>>
    %dma_start3A_34 = arith.constant 0 : i32
    %dma_start3A_35 = tpu.memref_slice %arg10[%dma_start3A_34] : memref<512xi32, #tpu.memory_space<vmem>> -> memref<64xi32, #tpu.memory_space<vmem>>
    %dma_start3A_36 = arith.constant 0 : i32
    %dma_start3A_37 = arith.constant 0 : i32
    %dma_start3A_38 = tpu.memref_slice %arg6[%dma_start3A_36, %dma_start3A_37] : memref<1000x128xi32, #tpu.memory_space<hbm>> -> memref<1000x128xi32, #tpu.memory_space<hbm>>
    %dma_start3A_39 = tpu.memref_slice %arg15[%dma_start3A_29] : memref<3x!tpu.dma_semaphore, #tpu.memory_space<semaphore_mem>> -> memref<1x!tpu.dma_semaphore, #tpu.memory_space<semaphore_mem>>
    %dma_start3A_40 = tpu.memref_squeeze %dma_start3A_39 : memref<1x!tpu.dma_semaphore, #tpu.memory_space<semaphore_mem>> -> memref<!tpu.dma_semaphore, #tpu.memory_space<semaphore_mem>>
    tpu.enqueue_indirect_dma source(%dma_start3A_38 : memref<1000x128xi32, #tpu.memory_space<hbm>>) target(%dma_start3A_33 : memref<64x128xi32, #tpu.memory_space<vmem>>) offsets(%dma_start3A_35 : memref<64xi32, #tpu.memory_space<vmem>>) semaphore(%dma_start3A_40 : memref<!tpu.dma_semaphore, #tpu.memory_space<semaphore_mem>>)
    %dma_start3A_41 = arith.constant 1 : i32
    %dma_start3A_42 = arith.constant 1 : i32
    %dma_start3A_43 = arith.constant 0 : i32
    %dma_start3A_44 = arith.constant 0 : i32
    %dma_start3A_45 = tpu.memref_slice %arg11[%dma_start3A_41, %dma_start3A_43, %dma_start3A_44] : memref<3x64x128xf32, #tpu.memory_space<vmem>> -> memref<1x64x128xf32, #tpu.memory_space<vmem>>
    %dma_start3A_46 = tpu.memref_squeeze %dma_start3A_45 : memref<1x64x128xf32, #tpu.memory_space<vmem>> -> memref<64x128xf32, #tpu.memory_space<vmem>>
    %dma_start3A_47 = arith.constant 64 : i32
    %dma_start3A_48 = tpu.memref_slice %arg8[%dma_start3A_47] : memref<512xi32, #tpu.memory_space<vmem>> -> memref<64xi32, #tpu.memory_space<vmem>>
    %dma_start3A_49 = arith.constant 0 : i32
    %dma_start3A_50 = arith.constant 0 : i32
    %dma_start3A_51 = tpu.memref_slice %arg5[%dma_start3A_49, %dma_start3A_50] : memref<1000000x128xf32, #tpu.memory_space<hbm>> -> memref<1000000x128xf32, #tpu.memory_space<hbm>>
    %dma_start3A_52 = tpu.memref_slice %arg15[%dma_start3A_42] : memref<3x!tpu.dma_semaphore, #tpu.memory_space<semaphore_mem>> -> memref<1x!tpu.dma_semaphore, #tpu.memory_space<semaphore_mem>>
    %dma_start3A_53 = tpu.memref_squeeze %dma_start3A_52 : memref<1x!tpu.dma_semaphore, #tpu.memory_space<semaphore_mem>> -> memref<!tpu.dma_semaphore, #tpu.memory_space<semaphore_mem>>
    tpu.enqueue_indirect_dma source(%dma_start3A_51 : memref<1000000x128xf32, #tpu.memory_space<hbm>>) target(%dma_start3A_46 : memref<64x128xf32, #tpu.memory_space<vmem>>) offsets(%dma_start3A_48 : memref<64xi32, #tpu.memory_space<vmem>>) semaphore(%dma_start3A_53 : memref<!tpu.dma_semaphore, #tpu.memory_space<semaphore_mem>>)
    %dma_start3A_54 = arith.constant 1 : i32
    %dma_start3A_55 = arith.constant 1 : i32
    %dma_start3A_56 = arith.constant 0 : i32
    %dma_start3A_57 = arith.constant 0 : i32
    %dma_start3A_58 = tpu.memref_slice %arg12[%dma_start3A_54, %dma_start3A_56, %dma_start3A_57] : memref<3x64x128xf32, #tpu.memory_space<vmem>> -> memref<1x64x128xf32, #tpu.memory_space<vmem>>
    %dma_start3A_59 = tpu.memref_squeeze %dma_start3A_58 : memref<1x64x128xf32, #tpu.memory_space<vmem>> -> memref<64x128xf32, #tpu.memory_space<vmem>>
    %dma_start3A_60 = arith.constant 64 : i32
    %dma_start3A_61 = tpu.memref_slice %arg9[%dma_start3A_60] : memref<512xi32, #tpu.memory_space<vmem>> -> memref<64xi32, #tpu.memory_space<vmem>>
    %dma_start3A_62 = arith.constant 0 : i32
    %dma_start3A_63 = arith.constant 0 : i32
    %dma_start3A_64 = tpu.memref_slice %arg5[%dma_start3A_62, %dma_start3A_63] : memref<1000000x128xf32, #tpu.memory_space<hbm>> -> memref<1000000x128xf32, #tpu.memory_space<hbm>>
    %dma_start3A_65 = tpu.memref_slice %arg15[%dma_start3A_55] : memref<3x!tpu.dma_semaphore, #tpu.memory_space<semaphore_mem>> -> memref<1x!tpu.dma_semaphore, #tpu.memory_space<semaphore_mem>>
    %dma_start3A_66 = tpu.memref_squeeze %dma_start3A_65 : memref<1x!tpu.dma_semaphore, #tpu.memory_space<semaphore_mem>> -> memref<!tpu.dma_semaphore, #tpu.memory_space<semaphore_mem>>
    tpu.enqueue_indirect_dma source(%dma_start3A_64 : memref<1000000x128xf32, #tpu.memory_space<hbm>>) target(%dma_start3A_59 : memref<64x128xf32, #tpu.memory_space<vmem>>) offsets(%dma_start3A_61 : memref<64xi32, #tpu.memory_space<vmem>>) semaphore(%dma_start3A_66 : memref<!tpu.dma_semaphore, #tpu.memory_space<semaphore_mem>>)
    %dma_start3A_67 = arith.constant 1 : i32
    %dma_start3A_68 = arith.constant 1 : i32
    %dma_start3A_69 = arith.constant 0 : i32
    %dma_start3A_70 = arith.constant 0 : i32
    %dma_start3A_71 = tpu.memref_slice %arg13[%dma_start3A_67, %dma_start3A_69, %dma_start3A_70] : memref<3x64x128xi32, #tpu.memory_space<vmem>> -> memref<1x64x128xi32, #tpu.memory_space<vmem>>
    %dma_start3A_72 = tpu.memref_squeeze %dma_start3A_71 : memref<1x64x128xi32, #tpu.memory_space<vmem>> -> memref<64x128xi32, #tpu.memory_space<vmem>>
    %dma_start3A_73 = arith.constant 64 : i32
    %dma_start3A_74 = tpu.memref_slice %arg10[%dma_start3A_73] : memref<512xi32, #tpu.memory_space<vmem>> -> memref<64xi32, #tpu.memory_space<vmem>>
    %dma_start3A_75 = arith.constant 0 : i32
    %dma_start3A_76 = arith.constant 0 : i32
    %dma_start3A_77 = tpu.memref_slice %arg6[%dma_start3A_75, %dma_start3A_76] : memref<1000x128xi32, #tpu.memory_space<hbm>> -> memref<1000x128xi32, #tpu.memory_space<hbm>>
    %dma_start3A_78 = tpu.memref_slice %arg15[%dma_start3A_68] : memref<3x!tpu.dma_semaphore, #tpu.memory_space<semaphore_mem>> -> memref<1x!tpu.dma_semaphore, #tpu.memory_space<semaphore_mem>>
    %dma_start3A_79 = tpu.memref_squeeze %dma_start3A_78 : memref<1x!tpu.dma_semaphore, #tpu.memory_space<semaphore_mem>> -> memref<!tpu.dma_semaphore, #tpu.memory_space<semaphore_mem>>
    tpu.enqueue_indirect_dma source(%dma_start3A_77 : memref<1000x128xi32, #tpu.memory_space<hbm>>) target(%dma_start3A_72 : memref<64x128xi32, #tpu.memory_space<vmem>>) offsets(%dma_start3A_74 : memref<64xi32, #tpu.memory_space<vmem>>) semaphore(%dma_start3A_79 : memref<!tpu.dma_semaphore, #tpu.memory_space<semaphore_mem>>)
    %scan3A = arith.constant 0 : i32
    %scan3A_80 = arith.constant 0 : i32
    %scan3A_81 = arith.constant 8 : i32
    %scan3A_82 = arith.addi %scan3A_80, %scan3A_81 : i32
    %scan3A_83 = arith.constant 1 : i32
    scf.for %scan3A_85 = %scan3A_80 to %scan3A_82 step %scan3A_83  : i32 {
      %rem3A = arith.constant 3 : i32
      %rem3A_86 = arith.remsi %scan3A_85, %rem3A : i32
      %lt3A = arith.constant 6 : i32
      %lt3A_87 = arith.cmpi slt, %scan3A_85, %lt3A : i32
      %convert_element_type3A = arith.extui %lt3A_87 : i1 to i32
      %cond3A = arith.constant 0 : i32
      %cond3A_88 = arith.cmpi ne, %convert_element_type3A, %cond3A : i32
      scf.if %cond3A_88 {
        %add3A_125 = arith.constant 2 : i32
        %add3A_126 = arith.addi %scan3A_85, %add3A_125 : i32
        %add3A_127 = arith.constant 2 : i32
        %add3A_128 = arith.addi %scan3A_85, %add3A_127 : i32
        %rem3A_129 = arith.constant 3 : i32
        %rem3A_130 = arith.remsi %add3A_128, %rem3A_129 : i32
        %mul3A_131 = arith.constant 64 : i32
        %mul3A_132 = arith.muli %add3A_126, %mul3A_131 : i32
        %dma_start3A_133 = arith.constant 0 : i32
        %dma_start3A_134 = arith.constant 0 : i32
        %dma_start3A_135 = tpu.memref_slice %arg11[%rem3A_130, %dma_start3A_133, %dma_start3A_134] : memref<3x64x128xf32, #tpu.memory_space<vmem>> -> memref<1x64x128xf32, #tpu.memory_space<vmem>>
        %dma_start3A_136 = tpu.memref_squeeze %dma_start3A_135 : memref<1x64x128xf32, #tpu.memory_space<vmem>> -> memref<64x128xf32, #tpu.memory_space<vmem>>
        %dma_start3A_137 = tpu.memref_slice %arg8[%mul3A_132] : memref<512xi32, #tpu.memory_space<vmem>> -> memref<64xi32, #tpu.memory_space<vmem>>
        %dma_start3A_138 = arith.constant 0 : i32
        %dma_start3A_139 = arith.constant 0 : i32
        %dma_start3A_140 = tpu.memref_slice %arg5[%dma_start3A_138, %dma_start3A_139] : memref<1000000x128xf32, #tpu.memory_space<hbm>> -> memref<1000000x128xf32, #tpu.memory_space<hbm>>
        %dma_start3A_141 = tpu.memref_slice %arg15[%rem3A_130] : memref<3x!tpu.dma_semaphore, #tpu.memory_space<semaphore_mem>> -> memref<1x!tpu.dma_semaphore, #tpu.memory_space<semaphore_mem>>
        %dma_start3A_142 = tpu.memref_squeeze %dma_start3A_141 : memref<1x!tpu.dma_semaphore, #tpu.memory_space<semaphore_mem>> -> memref<!tpu.dma_semaphore, #tpu.memory_space<semaphore_mem>>
        tpu.enqueue_indirect_dma source(%dma_start3A_140 : memref<1000000x128xf32, #tpu.memory_space<hbm>>) target(%dma_start3A_136 : memref<64x128xf32, #tpu.memory_space<vmem>>) offsets(%dma_start3A_137 : memref<64xi32, #tpu.memory_space<vmem>>) semaphore(%dma_start3A_142 : memref<!tpu.dma_semaphore, #tpu.memory_space<semaphore_mem>>)
        %dma_start3A_143 = arith.constant 0 : i32
        %dma_start3A_144 = arith.constant 0 : i32
        %dma_start3A_145 = tpu.memref_slice %arg12[%rem3A_130, %dma_start3A_143, %dma_start3A_144] : memref<3x64x128xf32, #tpu.memory_space<vmem>> -> memref<1x64x128xf32, #tpu.memory_space<vmem>>
        %dma_start3A_146 = tpu.memref_squeeze %dma_start3A_145 : memref<1x64x128xf32, #tpu.memory_space<vmem>> -> memref<64x128xf32, #tpu.memory_space<vmem>>
        %dma_start3A_147 = tpu.memref_slice %arg9[%mul3A_132] : memref<512xi32, #tpu.memory_space<vmem>> -> memref<64xi32, #tpu.memory_space<vmem>>
        %dma_start3A_148 = arith.constant 0 : i32
        %dma_start3A_149 = arith.constant 0 : i32
        %dma_start3A_150 = tpu.memref_slice %arg5[%dma_start3A_148, %dma_start3A_149] : memref<1000000x128xf32, #tpu.memory_space<hbm>> -> memref<1000000x128xf32, #tpu.memory_space<hbm>>
        %dma_start3A_151 = tpu.memref_slice %arg15[%rem3A_130] : memref<3x!tpu.dma_semaphore, #tpu.memory_space<semaphore_mem>> -> memref<1x!tpu.dma_semaphore, #tpu.memory_space<semaphore_mem>>
        %dma_start3A_152 = tpu.memref_squeeze %dma_start3A_151 : memref<1x!tpu.dma_semaphore, #tpu.memory_space<semaphore_mem>> -> memref<!tpu.dma_semaphore, #tpu.memory_space<semaphore_mem>>
        tpu.enqueue_indirect_dma source(%dma_start3A_150 : memref<1000000x128xf32, #tpu.memory_space<hbm>>) target(%dma_start3A_146 : memref<64x128xf32, #tpu.memory_space<vmem>>) offsets(%dma_start3A_147 : memref<64xi32, #tpu.memory_space<vmem>>) semaphore(%dma_start3A_152 : memref<!tpu.dma_semaphore, #tpu.memory_space<semaphore_mem>>)
        %dma_start3A_153 = arith.constant 0 : i32
        %dma_start3A_154 = arith.constant 0 : i32
        %dma_start3A_155 = tpu.memref_slice %arg13[%rem3A_130, %dma_start3A_153, %dma_start3A_154] : memref<3x64x128xi32, #tpu.memory_space<vmem>> -> memref<1x64x128xi32, #tpu.memory_space<vmem>>
        %dma_start3A_156 = tpu.memref_squeeze %dma_start3A_155 : memref<1x64x128xi32, #tpu.memory_space<vmem>> -> memref<64x128xi32, #tpu.memory_space<vmem>>
        %dma_start3A_157 = tpu.memref_slice %arg10[%mul3A_132] : memref<512xi32, #tpu.memory_space<vmem>> -> memref<64xi32, #tpu.memory_space<vmem>>
        %dma_start3A_158 = arith.constant 0 : i32
        %dma_start3A_159 = arith.constant 0 : i32
        %dma_start3A_160 = tpu.memref_slice %arg6[%dma_start3A_158, %dma_start3A_159] : memref<1000x128xi32, #tpu.memory_space<hbm>> -> memref<1000x128xi32, #tpu.memory_space<hbm>>
        %dma_start3A_161 = tpu.memref_slice %arg15[%rem3A_130] : memref<3x!tpu.dma_semaphore, #tpu.memory_space<semaphore_mem>> -> memref<1x!tpu.dma_semaphore, #tpu.memory_space<semaphore_mem>>
        %dma_start3A_162 = tpu.memref_squeeze %dma_start3A_161 : memref<1x!tpu.dma_semaphore, #tpu.memory_space<semaphore_mem>> -> memref<!tpu.dma_semaphore, #tpu.memory_space<semaphore_mem>>
        tpu.enqueue_indirect_dma source(%dma_start3A_160 : memref<1000x128xi32, #tpu.memory_space<hbm>>) target(%dma_start3A_156 : memref<64x128xi32, #tpu.memory_space<vmem>>) offsets(%dma_start3A_157 : memref<64xi32, #tpu.memory_space<vmem>>) semaphore(%dma_start3A_162 : memref<!tpu.dma_semaphore, #tpu.memory_space<semaphore_mem>>)
      } else {
      }
      %dma_wait3A = arith.constant 0 : i32
      %dma_wait3A_89 = arith.constant 0 : i32
      %dma_wait3A_90 = tpu.memref_slice %arg11[%rem3A_86, %dma_wait3A, %dma_wait3A_89] : memref<3x64x128xf32, #tpu.memory_space<vmem>> -> memref<1x64x128xf32, #tpu.memory_space<vmem>>
      %dma_wait3A_91 = tpu.memref_squeeze %dma_wait3A_90 : memref<1x64x128xf32, #tpu.memory_space<vmem>> -> memref<64x128xf32, #tpu.memory_space<vmem>>
      %dma_wait3A_92 = arith.constant 0 : i32
      %dma_wait3A_93 = tpu.memref_slice %arg8[%dma_wait3A_92] : memref<512xi32, #tpu.memory_space<vmem>> -> memref<64xi32, #tpu.memory_space<vmem>>
      %dma_wait3A_94 = arith.constant 0 : i32
      %dma_wait3A_95 = arith.constant 0 : i32
      %dma_wait3A_96 = tpu.memref_slice %arg5[%dma_wait3A_94, %dma_wait3A_95] : memref<1000000x128xf32, #tpu.memory_space<hbm>> -> memref<1000000x128xf32, #tpu.memory_space<hbm>>
      %dma_wait3A_97 = tpu.memref_slice %arg15[%rem3A_86] : memref<3x!tpu.dma_semaphore, #tpu.memory_space<semaphore_mem>> -> memref<1x!tpu.dma_semaphore, #tpu.memory_space<semaphore_mem>>
      %dma_wait3A_98 = tpu.memref_squeeze %dma_wait3A_97 : memref<1x!tpu.dma_semaphore, #tpu.memory_space<semaphore_mem>> -> memref<!tpu.dma_semaphore, #tpu.memory_space<semaphore_mem>>
      tpu.wait_indirect_dma semaphore(%dma_wait3A_98 : memref<!tpu.dma_semaphore, #tpu.memory_space<semaphore_mem>>) src(%dma_wait3A_96 : memref<1000000x128xf32, #tpu.memory_space<hbm>>) dst(%dma_wait3A_91 : memref<64x128xf32, #tpu.memory_space<vmem>>)
      %dma_wait3A_99 = arith.constant 0 : i32
      %dma_wait3A_100 = arith.constant 0 : i32
      %dma_wait3A_101 = tpu.memref_slice %arg12[%rem3A_86, %dma_wait3A_99, %dma_wait3A_100] : memref<3x64x128xf32, #tpu.memory_space<vmem>> -> memref<1x64x128xf32, #tpu.memory_space<vmem>>
      %dma_wait3A_102 = tpu.memref_squeeze %dma_wait3A_101 : memref<1x64x128xf32, #tpu.memory_space<vmem>> -> memref<64x128xf32, #tpu.memory_space<vmem>>
      %dma_wait3A_103 = arith.constant 0 : i32
      %dma_wait3A_104 = tpu.memref_slice %arg9[%dma_wait3A_103] : memref<512xi32, #tpu.memory_space<vmem>> -> memref<64xi32, #tpu.memory_space<vmem>>
      %dma_wait3A_105 = arith.constant 0 : i32
      %dma_wait3A_106 = arith.constant 0 : i32
      %dma_wait3A_107 = tpu.memref_slice %arg5[%dma_wait3A_105, %dma_wait3A_106] : memref<1000000x128xf32, #tpu.memory_space<hbm>> -> memref<1000000x128xf32, #tpu.memory_space<hbm>>
      %dma_wait3A_108 = tpu.memref_slice %arg15[%rem3A_86] : memref<3x!tpu.dma_semaphore, #tpu.memory_space<semaphore_mem>> -> memref<1x!tpu.dma_semaphore, #tpu.memory_space<semaphore_mem>>
      %dma_wait3A_109 = tpu.memref_squeeze %dma_wait3A_108 : memref<1x!tpu.dma_semaphore, #tpu.memory_space<semaphore_mem>> -> memref<!tpu.dma_semaphore, #tpu.memory_space<semaphore_mem>>
      tpu.wait_indirect_dma semaphore(%dma_wait3A_109 : memref<!tpu.dma_semaphore, #tpu.memory_space<semaphore_mem>>) src(%dma_wait3A_107 : memref<1000000x128xf32, #tpu.memory_space<hbm>>) dst(%dma_wait3A_102 : memref<64x128xf32, #tpu.memory_space<vmem>>)
      %dma_wait3A_110 = arith.constant 0 : i32
      %dma_wait3A_111 = arith.constant 0 : i32
      %dma_wait3A_112 = tpu.memref_slice %arg13[%rem3A_86, %dma_wait3A_110, %dma_wait3A_111] : memref<3x64x128xi32, #tpu.memory_space<vmem>> -> memref<1x64x128xi32, #tpu.memory_space<vmem>>
      %dma_wait3A_113 = tpu.memref_squeeze %dma_wait3A_112 : memref<1x64x128xi32, #tpu.memory_space<vmem>> -> memref<64x128xi32, #tpu.memory_space<vmem>>
      %dma_wait3A_114 = arith.constant 0 : i32
      %dma_wait3A_115 = tpu.memref_slice %arg10[%dma_wait3A_114] : memref<512xi32, #tpu.memory_space<vmem>> -> memref<64xi32, #tpu.memory_space<vmem>>
      %dma_wait3A_116 = arith.constant 0 : i32
      %dma_wait3A_117 = arith.constant 0 : i32
      %dma_wait3A_118 = tpu.memref_slice %arg6[%dma_wait3A_116, %dma_wait3A_117] : memref<1000x128xi32, #tpu.memory_space<hbm>> -> memref<1000x128xi32, #tpu.memory_space<hbm>>
      %dma_wait3A_119 = tpu.memref_slice %arg15[%rem3A_86] : memref<3x!tpu.dma_semaphore, #tpu.memory_space<semaphore_mem>> -> memref<1x!tpu.dma_semaphore, #tpu.memory_space<semaphore_mem>>
      %dma_wait3A_120 = tpu.memref_squeeze %dma_wait3A_119 : memref<1x!tpu.dma_semaphore, #tpu.memory_space<semaphore_mem>> -> memref<!tpu.dma_semaphore, #tpu.memory_space<semaphore_mem>>
      tpu.wait_indirect_dma semaphore(%dma_wait3A_120 : memref<!tpu.dma_semaphore, #tpu.memory_space<semaphore_mem>>) src(%dma_wait3A_118 : memref<1000x128xi32, #tpu.memory_space<hbm>>) dst(%dma_wait3A_113 : memref<64x128xi32, #tpu.memory_space<vmem>>)
      %eq3A = arith.constant 0 : i32
      %eq3A_121 = vector.broadcast %eq3A : i32 to vector<16xi32>
      %eq3A_122 = arith.cmpi eq, %iota3A, %eq3A_121 : vector<16xi32>
      %parallel_loop3A = arith.constant 0 : i32
      %parallel_loop3A_123 = arith.constant 64 : i32
      %parallel_loop3A_124 = arith.constant 1 : i32
      scf.for %parallel_loop3A_125 = %parallel_loop3A to %parallel_loop3A_123 step %parallel_loop3A_124  : i32 {
        %parallel_loop3A_126 = arith.index_cast %rem3A_86 : i32 to index
        %parallel_loop3A_127 = arith.index_cast %parallel_loop3A_125 : i32 to index
        %parallel_loop3A_128 = arith.constant 0 : index
        %parallel_loop3A_129 = tpu.vector_load %arg11[%parallel_loop3A_126, %parallel_loop3A_127, %parallel_loop3A_128] {strides = array<i32>} : memref<3x64x128xf32, #tpu.memory_space<vmem>>, vector<16xf32>,
        %parallel_loop3A_130 = arith.index_cast %rem3A_86 : i32 to index
        %parallel_loop3A_131 = arith.index_cast %parallel_loop3A_125 : i32 to index
        %parallel_loop3A_132 = arith.constant 0 : index
        %parallel_loop3A_133 = tpu.vector_load %arg12[%parallel_loop3A_130, %parallel_loop3A_131, %parallel_loop3A_132] {strides = array<i32>} : memref<3x64x128xf32, #tpu.memory_space<vmem>>, vector<16xf32>,
        %parallel_loop3A_134 = arith.subf %parallel_loop3A_129, %parallel_loop3A_133 : vector<16xf32>
        %parallel_loop3A_135 = arith.index_cast %rem3A_86 : i32 to index
        %parallel_loop3A_136 = arith.index_cast %parallel_loop3A_125 : i32 to index
        %parallel_loop3A_137 = arith.constant 16 : index
        %parallel_loop3A_138 = tpu.vector_load %arg11[%parallel_loop3A_135, %parallel_loop3A_136, %parallel_loop3A_137] {strides = array<i32>} : memref<3x64x128xf32, #tpu.memory_space<vmem>>, vector<16xf32>,
        %parallel_loop3A_139 = arith.index_cast %rem3A_86 : i32 to index
        %parallel_loop3A_140 = arith.index_cast %parallel_loop3A_125 : i32 to index
        %parallel_loop3A_141 = arith.constant 16 : index
        %parallel_loop3A_142 = tpu.vector_load %arg12[%parallel_loop3A_139, %parallel_loop3A_140, %parallel_loop3A_141] {strides = array<i32>} : memref<3x64x128xf32, #tpu.memory_space<vmem>>, vector<16xf32>,
        %parallel_loop3A_143 = arith.subf %parallel_loop3A_138, %parallel_loop3A_142 : vector<16xf32>
        %parallel_loop3A_144 = arith.index_cast %rem3A_86 : i32 to index
        %parallel_loop3A_145 = arith.index_cast %parallel_loop3A_125 : i32 to index
        %parallel_loop3A_146 = arith.constant 32 : index
        %parallel_loop3A_147 = tpu.vector_load %arg11[%parallel_loop3A_144, %parallel_loop3A_145, %parallel_loop3A_146] {strides = array<i32>} : memref<3x64x128xf32, #tpu.memory_space<vmem>>, vector<16xf32>,
        %parallel_loop3A_148 = arith.index_cast %rem3A_86 : i32 to index
        %parallel_loop3A_149 = arith.index_cast %parallel_loop3A_125 : i32 to index
        %parallel_loop3A_150 = arith.constant 32 : index
        %parallel_loop3A_151 = tpu.vector_load %arg12[%parallel_loop3A_148, %parallel_loop3A_149, %parallel_loop3A_150] {strides = array<i32>} : memref<3x64x128xf32, #tpu.memory_space<vmem>>, vector<16xf32>,
        %parallel_loop3A_152 = arith.subf %parallel_loop3A_147, %parallel_loop3A_151 : vector<16xf32>
        %parallel_loop3A_153 = arith.index_cast %rem3A_86 : i32 to index
        %parallel_loop3A_154 = arith.index_cast %parallel_loop3A_125 : i32 to index
        %parallel_loop3A_155 = arith.constant 48 : index
        %parallel_loop3A_156 = tpu.vector_load %arg11[%parallel_loop3A_153, %parallel_loop3A_154, %parallel_loop3A_155] {strides = array<i32>} : memref<3x64x128xf32, #tpu.memory_space<vmem>>, vector<16xf32>,
        %parallel_loop3A_157 = arith.index_cast %rem3A_86 : i32 to index
        %parallel_loop3A_158 = arith.index_cast %parallel_loop3A_125 : i32 to index
        %parallel_loop3A_159 = arith.constant 48 : index
        %parallel_loop3A_160 = tpu.vector_load %arg12[%parallel_loop3A_157, %parallel_loop3A_158, %parallel_loop3A_159] {strides = array<i32>} : memref<3x64x128xf32, #tpu.memory_space<vmem>>, vector<16xf32>,
        %parallel_loop3A_161 = arith.subf %parallel_loop3A_156, %parallel_loop3A_160 : vector<16xf32>
        %parallel_loop3A_162 = arith.index_cast %rem3A_86 : i32 to index
        %parallel_loop3A_163 = arith.index_cast %parallel_loop3A_125 : i32 to index
        %parallel_loop3A_164 = arith.constant 64 : index
        %parallel_loop3A_165 = tpu.vector_load %arg11[%parallel_loop3A_162, %parallel_loop3A_163, %parallel_loop3A_164] {strides = array<i32>} : memref<3x64x128xf32, #tpu.memory_space<vmem>>, vector<16xf32>,
        %parallel_loop3A_166 = arith.index_cast %rem3A_86 : i32 to index
        %parallel_loop3A_167 = arith.index_cast %parallel_loop3A_125 : i32 to index
        %parallel_loop3A_168 = arith.constant 64 : index
        %parallel_loop3A_169 = tpu.vector_load %arg12[%parallel_loop3A_166, %parallel_loop3A_167, %parallel_loop3A_168] {strides = array<i32>} : memref<3x64x128xf32, #tpu.memory_space<vmem>>, vector<16xf32>,
        %parallel_loop3A_170 = arith.subf %parallel_loop3A_165, %parallel_loop3A_169 : vector<16xf32>
        %parallel_loop3A_171 = arith.index_cast %rem3A_86 : i32 to index
        %parallel_loop3A_172 = arith.index_cast %parallel_loop3A_125 : i32 to index
        %parallel_loop3A_173 = arith.constant 80 : index
        %parallel_loop3A_174 = tpu.vector_load %arg11[%parallel_loop3A_171, %parallel_loop3A_172, %parallel_loop3A_173] {strides = array<i32>} : memref<3x64x128xf32, #tpu.memory_space<vmem>>, vector<16xf32>,
        %parallel_loop3A_175 = arith.index_cast %rem3A_86 : i32 to index
        %parallel_loop3A_176 = arith.index_cast %parallel_loop3A_125 : i32 to index
        %parallel_loop3A_177 = arith.constant 80 : index
        %parallel_loop3A_178 = tpu.vector_load %arg12[%parallel_loop3A_175, %parallel_loop3A_176, %parallel_loop3A_177] {strides = array<i32>} : memref<3x64x128xf32, #tpu.memory_space<vmem>>, vector<16xf32>,
        %parallel_loop3A_179 = arith.subf %parallel_loop3A_174, %parallel_loop3A_178 : vector<16xf32>
        %parallel_loop3A_180 = arith.index_cast %rem3A_86 : i32 to index
        %parallel_loop3A_181 = arith.index_cast %parallel_loop3A_125 : i32 to index
        %parallel_loop3A_182 = arith.constant 96 : index
        %parallel_loop3A_183 = tpu.vector_load %arg11[%parallel_loop3A_180, %parallel_loop3A_181, %parallel_loop3A_182] {strides = array<i32>} : memref<3x64x128xf32, #tpu.memory_space<vmem>>, vector<16xf32>,
        %parallel_loop3A_184 = arith.index_cast %rem3A_86 : i32 to index
        %parallel_loop3A_185 = arith.index_cast %parallel_loop3A_125 : i32 to index
        %parallel_loop3A_186 = arith.constant 96 : index
        %parallel_loop3A_187 = tpu.vector_load %arg12[%parallel_loop3A_184, %parallel_loop3A_185, %parallel_loop3A_186] {strides = array<i32>} : memref<3x64x128xf32, #tpu.memory_space<vmem>>, vector<16xf32>,
        %parallel_loop3A_188 = arith.subf %parallel_loop3A_183, %parallel_loop3A_187 : vector<16xf32>
        %parallel_loop3A_189 = arith.index_cast %rem3A_86 : i32 to index
        %parallel_loop3A_190 = arith.index_cast %parallel_loop3A_125 : i32 to index
        %parallel_loop3A_191 = arith.constant 112 : index
        %parallel_loop3A_192 = tpu.vector_load %arg11[%parallel_loop3A_189, %parallel_loop3A_190, %parallel_loop3A_191] {strides = array<i32>} : memref<3x64x128xf32, #tpu.memory_space<vmem>>, vector<16xf32>,
        %parallel_loop3A_193 = arith.index_cast %rem3A_86 : i32 to index
        %parallel_loop3A_194 = arith.index_cast %parallel_loop3A_125 : i32 to index
        %parallel_loop3A_195 = arith.constant 112 : index
        %parallel_loop3A_196 = tpu.vector_load %arg12[%parallel_loop3A_193, %parallel_loop3A_194, %parallel_loop3A_195] {strides = array<i32>} : memref<3x64x128xf32, #tpu.memory_space<vmem>>, vector<16xf32>,
        %parallel_loop3A_197 = arith.subf %parallel_loop3A_192, %parallel_loop3A_196 : vector<16xf32>
        %parallel_loop3A_198 = arith.index_cast %rem3A_86 : i32 to index
        %parallel_loop3A_199 = arith.index_cast %parallel_loop3A_125 : i32 to index
        %parallel_loop3A_200 = arith.constant 64 : index
        %parallel_loop3A_201 = tpu.vector_load %arg13[%parallel_loop3A_198, %parallel_loop3A_199, %parallel_loop3A_200] {strides = array<i32>} : memref<3x64x128xi32, #tpu.memory_space<vmem>>, vector<16xi32>,
        %parallel_loop3A_202 = arith.constant 16 : i32
        %parallel_loop3A_203 = vector.broadcast %parallel_loop3A_202 : i32 to vector<16xi32>
        %parallel_loop3A_204 = arith.shli %parallel_loop3A_201, %parallel_loop3A_203 : vector<16xi32>
        %parallel_loop3A_205 = vector.bitcast %parallel_loop3A_204 : vector<16xi32> to vector<16xf32>
        %parallel_loop3A_206 = arith.constant -65536 : i32
        %parallel_loop3A_207 = vector.broadcast %parallel_loop3A_206 : i32 to vector<16xi32>
        %parallel_loop3A_208 = arith.andi %parallel_loop3A_201, %parallel_loop3A_207 : vector<16xi32>
        %parallel_loop3A_209 = vector.bitcast %parallel_loop3A_208 : vector<16xi32> to vector<16xf32>
        %parallel_loop3A_210 = arith.index_cast %rem3A_86 : i32 to index
        %parallel_loop3A_211 = arith.index_cast %parallel_loop3A_125 : i32 to index
        %parallel_loop3A_212 = arith.constant 80 : index
        %parallel_loop3A_213 = tpu.vector_load %arg13[%parallel_loop3A_210, %parallel_loop3A_211, %parallel_loop3A_212] {strides = array<i32>} : memref<3x64x128xi32, #tpu.memory_space<vmem>>, vector<16xi32>,
        %parallel_loop3A_214 = arith.constant 16 : i32
        %parallel_loop3A_215 = vector.broadcast %parallel_loop3A_214 : i32 to vector<16xi32>
        %parallel_loop3A_216 = arith.shli %parallel_loop3A_213, %parallel_loop3A_215 : vector<16xi32>
        %parallel_loop3A_217 = vector.bitcast %parallel_loop3A_216 : vector<16xi32> to vector<16xf32>
        %parallel_loop3A_218 = arith.constant -65536 : i32
        %parallel_loop3A_219 = vector.broadcast %parallel_loop3A_218 : i32 to vector<16xi32>
        %parallel_loop3A_220 = arith.andi %parallel_loop3A_213, %parallel_loop3A_219 : vector<16xi32>
        %parallel_loop3A_221 = vector.bitcast %parallel_loop3A_220 : vector<16xi32> to vector<16xf32>
        %parallel_loop3A_222 = arith.index_cast %rem3A_86 : i32 to index
        %parallel_loop3A_223 = arith.index_cast %parallel_loop3A_125 : i32 to index
        %parallel_loop3A_224 = arith.constant 96 : index
        %parallel_loop3A_225 = tpu.vector_load %arg13[%parallel_loop3A_222, %parallel_loop3A_223, %parallel_loop3A_224] {strides = array<i32>} : memref<3x64x128xi32, #tpu.memory_space<vmem>>, vector<16xi32>,
        %parallel_loop3A_226 = arith.constant 16 : i32
        %parallel_loop3A_227 = vector.broadcast %parallel_loop3A_226 : i32 to vector<16xi32>
        %parallel_loop3A_228 = arith.shli %parallel_loop3A_225, %parallel_loop3A_227 : vector<16xi32>
        %parallel_loop3A_229 = vector.bitcast %parallel_loop3A_228 : vector<16xi32> to vector<16xf32>
        %parallel_loop3A_230 = arith.constant -65536 : i32
        %parallel_loop3A_231 = vector.broadcast %parallel_loop3A_230 : i32 to vector<16xi32>
        %parallel_loop3A_232 = arith.andi %parallel_loop3A_225, %parallel_loop3A_231 : vector<16xi32>
        %parallel_loop3A_233 = vector.bitcast %parallel_loop3A_232 : vector<16xi32> to vector<16xf32>
        %parallel_loop3A_234 = arith.index_cast %rem3A_86 : i32 to index
        %parallel_loop3A_235 = arith.index_cast %parallel_loop3A_125 : i32 to index
        %parallel_loop3A_236 = arith.constant 112 : index
        %parallel_loop3A_237 = tpu.vector_load %arg13[%parallel_loop3A_234, %parallel_loop3A_235, %parallel_loop3A_236] {strides = array<i32>} : memref<3x64x128xi32, #tpu.memory_space<vmem>>, vector<16xi32>,
        %parallel_loop3A_238 = arith.constant 16 : i32
        %parallel_loop3A_239 = vector.broadcast %parallel_loop3A_238 : i32 to vector<16xi32>
        %parallel_loop3A_240 = arith.shli %parallel_loop3A_237, %parallel_loop3A_239 : vector<16xi32>
        %parallel_loop3A_241 = vector.bitcast %parallel_loop3A_240 : vector<16xi32> to vector<16xf32>
        %parallel_loop3A_242 = arith.constant -65536 : i32
        %parallel_loop3A_243 = vector.broadcast %parallel_loop3A_242 : i32 to vector<16xi32>
        %parallel_loop3A_244 = arith.andi %parallel_loop3A_237, %parallel_loop3A_243 : vector<16xi32>
        %parallel_loop3A_245 = vector.bitcast %parallel_loop3A_244 : vector<16xi32> to vector<16xf32>
        %parallel_loop3A_246 = arith.mulf %parallel_loop3A_134, %parallel_loop3A_205 : vector<16xf32>
        %parallel_loop3A_247 = arith.mulf %parallel_loop3A_143, %parallel_loop3A_209 : vector<16xf32>
        %parallel_loop3A_248 = arith.addf %parallel_loop3A_246, %parallel_loop3A_247 : vector<16xf32>
        %parallel_loop3A_249 = arith.mulf %parallel_loop3A_152, %parallel_loop3A_217 : vector<16xf32>
        %parallel_loop3A_250 = arith.addf %parallel_loop3A_248, %parallel_loop3A_249 : vector<16xf32>
        %parallel_loop3A_251 = arith.mulf %parallel_loop3A_161, %parallel_loop3A_221 : vector<16xf32>
        %parallel_loop3A_252 = arith.addf %parallel_loop3A_250, %parallel_loop3A_251 : vector<16xf32>
        %parallel_loop3A_253 = arith.mulf %parallel_loop3A_170, %parallel_loop3A_229 : vector<16xf32>
        %parallel_loop3A_254 = arith.addf %parallel_loop3A_252, %parallel_loop3A_253 : vector<16xf32>
        %parallel_loop3A_255 = arith.mulf %parallel_loop3A_179, %parallel_loop3A_233 : vector<16xf32>
        %parallel_loop3A_256 = arith.addf %parallel_loop3A_254, %parallel_loop3A_255 : vector<16xf32>
        %parallel_loop3A_257 = arith.mulf %parallel_loop3A_188, %parallel_loop3A_241 : vector<16xf32>
        %parallel_loop3A_258 = arith.addf %parallel_loop3A_256, %parallel_loop3A_257 : vector<16xf32>
        %parallel_loop3A_259 = arith.mulf %parallel_loop3A_197, %parallel_loop3A_245 : vector<16xf32>
        %parallel_loop3A_260 = arith.addf %parallel_loop3A_258, %parallel_loop3A_259 : vector<16xf32>
        %parallel_loop3A_261 = arith.index_cast %rem3A_86 : i32 to index
        %parallel_loop3A_262 = arith.index_cast %parallel_loop3A_125 : i32 to index
        %parallel_loop3A_263 = arith.constant 0 : index
        %parallel_loop3A_264 = tpu.vector_load %arg13[%parallel_loop3A_261, %parallel_loop3A_262, %parallel_loop3A_263] {strides = array<i32>} : memref<3x64x128xi32, #tpu.memory_space<vmem>>, vector<16xi32>,
        %parallel_loop3A_265 = arith.constant 16 : i32
        %parallel_loop3A_266 = vector.broadcast %parallel_loop3A_265 : i32 to vector<16xi32>
        %parallel_loop3A_267 = arith.shli %parallel_loop3A_264, %parallel_loop3A_266 : vector<16xi32>
        %parallel_loop3A_268 = vector.bitcast %parallel_loop3A_267 : vector<16xi32> to vector<16xf32>
        %parallel_loop3A_269 = arith.addf %parallel_loop3A_134, %parallel_loop3A_268 : vector<16xf32>
        %parallel_loop3A_270 = arith.constant -65536 : i32
        %parallel_loop3A_271 = vector.broadcast %parallel_loop3A_270 : i32 to vector<16xi32>
        %parallel_loop3A_272 = arith.andi %parallel_loop3A_264, %parallel_loop3A_271 : vector<16xi32>
        %parallel_loop3A_273 = vector.bitcast %parallel_loop3A_272 : vector<16xi32> to vector<16xf32>
        %parallel_loop3A_274 = arith.addf %parallel_loop3A_143, %parallel_loop3A_273 : vector<16xf32>
        %parallel_loop3A_275 = arith.index_cast %rem3A_86 : i32 to index
        %parallel_loop3A_276 = arith.index_cast %parallel_loop3A_125 : i32 to index
        %parallel_loop3A_277 = arith.constant 16 : index
        %parallel_loop3A_278 = tpu.vector_load %arg13[%parallel_loop3A_275, %parallel_loop3A_276, %parallel_loop3A_277] {strides = array<i32>} : memref<3x64x128xi32, #tpu.memory_space<vmem>>, vector<16xi32>,
        %parallel_loop3A_279 = arith.constant 16 : i32
        %parallel_loop3A_280 = vector.broadcast %parallel_loop3A_279 : i32 to vector<16xi32>
        %parallel_loop3A_281 = arith.shli %parallel_loop3A_278, %parallel_loop3A_280 : vector<16xi32>
        %parallel_loop3A_282 = vector.bitcast %parallel_loop3A_281 : vector<16xi32> to vector<16xf32>
        %parallel_loop3A_283 = arith.addf %parallel_loop3A_152, %parallel_loop3A_282 : vector<16xf32>
        %parallel_loop3A_284 = arith.constant -65536 : i32
        %parallel_loop3A_285 = vector.broadcast %parallel_loop3A_284 : i32 to vector<16xi32>
        %parallel_loop3A_286 = arith.andi %parallel_loop3A_278, %parallel_loop3A_285 : vector<16xi32>
        %parallel_loop3A_287 = vector.bitcast %parallel_loop3A_286 : vector<16xi32> to vector<16xf32>
        %parallel_loop3A_288 = arith.addf %parallel_loop3A_161, %parallel_loop3A_287 : vector<16xf32>
        %parallel_loop3A_289 = arith.index_cast %rem3A_86 : i32 to index
        %parallel_loop3A_290 = arith.index_cast %parallel_loop3A_125 : i32 to index
        %parallel_loop3A_291 = arith.constant 32 : index
        %parallel_loop3A_292 = tpu.vector_load %arg13[%parallel_loop3A_289, %parallel_loop3A_290, %parallel_loop3A_291] {strides = array<i32>} : memref<3x64x128xi32, #tpu.memory_space<vmem>>, vector<16xi32>,
        %parallel_loop3A_293 = arith.constant 16 : i32
        %parallel_loop3A_294 = vector.broadcast %parallel_loop3A_293 : i32 to vector<16xi32>
        %parallel_loop3A_295 = arith.shli %parallel_loop3A_292, %parallel_loop3A_294 : vector<16xi32>
        %parallel_loop3A_296 = vector.bitcast %parallel_loop3A_295 : vector<16xi32> to vector<16xf32>
        %parallel_loop3A_297 = arith.addf %parallel_loop3A_170, %parallel_loop3A_296 : vector<16xf32>
        %parallel_loop3A_298 = arith.constant -65536 : i32
        %parallel_loop3A_299 = vector.broadcast %parallel_loop3A_298 : i32 to vector<16xi32>
        %parallel_loop3A_300 = arith.andi %parallel_loop3A_292, %parallel_loop3A_299 : vector<16xi32>
        %parallel_loop3A_301 = vector.bitcast %parallel_loop3A_300 : vector<16xi32> to vector<16xf32>
        %parallel_loop3A_302 = arith.addf %parallel_loop3A_179, %parallel_loop3A_301 : vector<16xf32>
        %parallel_loop3A_303 = arith.index_cast %rem3A_86 : i32 to index
        %parallel_loop3A_304 = arith.index_cast %parallel_loop3A_125 : i32 to index
        %parallel_loop3A_305 = arith.constant 48 : index
        %parallel_loop3A_306 = tpu.vector_load %arg13[%parallel_loop3A_303, %parallel_loop3A_304, %parallel_loop3A_305] {strides = array<i32>} : memref<3x64x128xi32, #tpu.memory_space<vmem>>, vector<16xi32>,
        %parallel_loop3A_307 = arith.constant 16 : i32
        %parallel_loop3A_308 = vector.broadcast %parallel_loop3A_307 : i32 to vector<16xi32>
        %parallel_loop3A_309 = arith.shli %parallel_loop3A_306, %parallel_loop3A_308 : vector<16xi32>
        %parallel_loop3A_310 = vector.bitcast %parallel_loop3A_309 : vector<16xi32> to vector<16xf32>
        %parallel_loop3A_311 = arith.addf %parallel_loop3A_188, %parallel_loop3A_310 : vector<16xf32>
        %parallel_loop3A_312 = arith.constant -65536 : i32
        %parallel_loop3A_313 = vector.broadcast %parallel_loop3A_312 : i32 to vector<16xi32>
        %parallel_loop3A_314 = arith.andi %parallel_loop3A_306, %parallel_loop3A_313 : vector<16xi32>
        %parallel_loop3A_315 = vector.bitcast %parallel_loop3A_314 : vector<16xi32> to vector<16xf32>
        %parallel_loop3A_316 = arith.addf %parallel_loop3A_197, %parallel_loop3A_315 : vector<16xf32>
        %parallel_loop3A_317 = arith.constant true
        %parallel_loop3A_318 = vector.broadcast %parallel_loop3A_317 : i1 to vector<16xi1>
        %parallel_loop3A_319 = tpu.scan <sum>, %parallel_loop3A_260 masked %parallel_loop3A_318 : vector<16xf32>, vector<16xi1> -> vector<16xf32>
        %parallel_loop3A_320 = vector.extract %parallel_loop3A_319[15] : f32 from vector<16xf32>
        %parallel_loop3A_321 = vector.broadcast %parallel_loop3A_320 : f32 to vector<16xf32>
        %parallel_loop3A_322 = arith.mulf %parallel_loop3A_321, %parallel_loop3A_205 : vector<16xf32>
        %parallel_loop3A_323 = arith.subf %parallel_loop3A_269, %parallel_loop3A_322 : vector<16xf32>
        %parallel_loop3A_324 = math.absf %parallel_loop3A_323 : vector<16xf32>
        %parallel_loop3A_325 = vector.broadcast %parallel_loop3A_320 : f32 to vector<16xf32>
        %parallel_loop3A_326 = arith.mulf %parallel_loop3A_325, %parallel_loop3A_209 : vector<16xf32>
        %parallel_loop3A_327 = arith.subf %parallel_loop3A_274, %parallel_loop3A_326 : vector<16xf32>
        %parallel_loop3A_328 = math.absf %parallel_loop3A_327 : vector<16xf32>
        %parallel_loop3A_329 = arith.addf %parallel_loop3A_324, %parallel_loop3A_328 : vector<16xf32>
        %parallel_loop3A_330 = vector.broadcast %parallel_loop3A_320 : f32 to vector<16xf32>
        %parallel_loop3A_331 = arith.mulf %parallel_loop3A_330, %parallel_loop3A_217 : vector<16xf32>
        %parallel_loop3A_332 = arith.subf %parallel_loop3A_283, %parallel_loop3A_331 : vector<16xf32>
        %parallel_loop3A_333 = math.absf %parallel_loop3A_332 : vector<16xf32>
        %parallel_loop3A_334 = arith.addf %parallel_loop3A_329, %parallel_loop3A_333 : vector<16xf32>
        %parallel_loop3A_335 = vector.broadcast %parallel_loop3A_320 : f32 to vector<16xf32>
        %parallel_loop3A_336 = arith.mulf %parallel_loop3A_335, %parallel_loop3A_221 : vector<16xf32>
        %parallel_loop3A_337 = arith.subf %parallel_loop3A_288, %parallel_loop3A_336 : vector<16xf32>
        %parallel_loop3A_338 = math.absf %parallel_loop3A_337 : vector<16xf32>
        %parallel_loop3A_339 = arith.addf %parallel_loop3A_334, %parallel_loop3A_338 : vector<16xf32>
        %parallel_loop3A_340 = vector.broadcast %parallel_loop3A_320 : f32 to vector<16xf32>
        %parallel_loop3A_341 = arith.mulf %parallel_loop3A_340, %parallel_loop3A_229 : vector<16xf32>
        %parallel_loop3A_342 = arith.subf %parallel_loop3A_297, %parallel_loop3A_341 : vector<16xf32>
        %parallel_loop3A_343 = math.absf %parallel_loop3A_342 : vector<16xf32>
        %parallel_loop3A_344 = arith.addf %parallel_loop3A_339, %parallel_loop3A_343 : vector<16xf32>
        %parallel_loop3A_345 = vector.broadcast %parallel_loop3A_320 : f32 to vector<16xf32>
        %parallel_loop3A_346 = arith.mulf %parallel_loop3A_345, %parallel_loop3A_233 : vector<16xf32>
        %parallel_loop3A_347 = arith.subf %parallel_loop3A_302, %parallel_loop3A_346 : vector<16xf32>
        %parallel_loop3A_348 = math.absf %parallel_loop3A_347 : vector<16xf32>
        %parallel_loop3A_349 = arith.addf %parallel_loop3A_344, %parallel_loop3A_348 : vector<16xf32>
        %parallel_loop3A_350 = vector.broadcast %parallel_loop3A_320 : f32 to vector<16xf32>
        %parallel_loop3A_351 = arith.mulf %parallel_loop3A_350, %parallel_loop3A_241 : vector<16xf32>
        %parallel_loop3A_352 = arith.subf %parallel_loop3A_311, %parallel_loop3A_351 : vector<16xf32>
        %parallel_loop3A_353 = math.absf %parallel_loop3A_352 : vector<16xf32>
        %parallel_loop3A_354 = arith.addf %parallel_loop3A_349, %parallel_loop3A_353 : vector<16xf32>
        %parallel_loop3A_355 = vector.broadcast %parallel_loop3A_320 : f32 to vector<16xf32>
        %parallel_loop3A_356 = arith.mulf %parallel_loop3A_355, %parallel_loop3A_245 : vector<16xf32>
        %parallel_loop3A_357 = arith.subf %parallel_loop3A_316, %parallel_loop3A_356 : vector<16xf32>
        %parallel_loop3A_358 = math.absf %parallel_loop3A_357 : vector<16xf32>
        %parallel_loop3A_359 = arith.addf %parallel_loop3A_354, %parallel_loop3A_358 : vector<16xf32>
        %parallel_loop3A_360 = arith.constant true
        %parallel_loop3A_361 = vector.broadcast %parallel_loop3A_360 : i1 to vector<16xi1>
        %parallel_loop3A_362 = tpu.scan <sum>, %parallel_loop3A_359 masked %parallel_loop3A_361 : vector<16xf32>, vector<16xi1> -> vector<16xf32>
        %parallel_loop3A_363 = vector.extract %parallel_loop3A_362[15] : f32 from vector<16xf32>
        %parallel_loop3A_364 = arith.constant 0 : i32
        %parallel_loop3A_365 = vector.broadcast %parallel_loop3A_364 : i32 to vector<16xi32>
        %parallel_loop3A_366 = arith.constant 64 : i32
        %parallel_loop3A_367 = arith.muli %scan3A_85, %parallel_loop3A_366 : i32
        %parallel_loop3A_368 = arith.addi %parallel_loop3A_367, %parallel_loop3A_125 : i32
        %parallel_loop3A_369 = vector.broadcast %parallel_loop3A_368 : i32 to vector<16xi32>
        %parallel_loop3A_370 = arith.addi %parallel_loop3A_365, %parallel_loop3A_369 : vector<16xi32>
        %parallel_loop3A_371 = arith.constant 0.000000e+00 : f32
        %parallel_loop3A_372 = vector.broadcast %parallel_loop3A_371 : f32 to vector<16xf32>
        %parallel_loop3A_373 = vector.broadcast %parallel_loop3A_363 : f32 to vector<16xf32>
        %parallel_loop3A_374 = arith.addf %parallel_loop3A_372, %parallel_loop3A_373 : vector<16xf32>
        tpu.vector_store_idx %arg14[%parallel_loop3A_370], %parallel_loop3A_374 masked %eq3A_122 : memref<512xf32, #tpu.memory_space<vmem>>[vector<16xi32>], vector<16xf32>, vector<16xi1>
      } {sc.loop_unroll_factor = 4 : i64, sc.parallel_access}
    }
    %scan3A_84 = arith.constant 8 : i32
    "tpu.region"() ({
      %run_scoped3A = tpu.sem_alloc : memref<!tpu.dma_semaphore, #tpu.memory_space<semaphore_mem>>
      %dma_start3A_85 = tpu.memref_slice %arg7[%mul3A_2] : memref<16384xf32, #tpu.memory_space<hbm>> -> memref<512xf32, #tpu.memory_space<hbm>>
      %dma_start3A_86 = tpu.memref_slice %arg7[%mul3A_2] : memref<16384xf32, #tpu.memory_space<hbm>> -> memref<512xf32, #tpu.memory_space<hbm>>
      tpu.enqueue_dma source(%arg14 : memref<512xf32, #tpu.memory_space<vmem>>) target(%dma_start3A_86 : memref<512xf32, #tpu.memory_space<hbm>>) target_semaphore(%run_scoped3A : memref<!tpu.dma_semaphore, #tpu.memory_space<semaphore_mem>>)
      %dma_wait3A = tpu.memref_slice %arg7[%mul3A_2] : memref<16384xf32, #tpu.memory_space<hbm>> -> memref<512xf32, #tpu.memory_space<hbm>>
      %dma_wait3A_87 = tpu.memref_slice %arg7[%mul3A_2] : memref<16384xf32, #tpu.memory_space<hbm>> -> memref<512xf32, #tpu.memory_space<hbm>>
      tpu.wait_dma2 semaphore(%run_scoped3A : memref<!tpu.dma_semaphore, #tpu.memory_space<semaphore_mem>>) src(%arg14 : memref<512xf32, #tpu.memory_space<vmem>>) dst(%dma_wait3A_87 : memref<512xf32, #tpu.memory_space<hbm>>)
      tpu.yield
    }) : () -> ()
    return
  }
}

</mosaic_0001>

<sc_bundles>
// kernel: kernel.3.cloned.1.call-start
scs
__scs_entry_jumppad:
0x0: {  	(pc) =	sbr.rel $0x88, $3  }
0x1: {  	(tag) =	ssettag $0x0;
	lr =	simm.s32 $0x1  }
0x2: {  	[smem:$0x3F9B] =	sst lr;
	_ =	strace $0xD0000000  }
0x3: {  	_ = 	snop  }
0x4: {  	_ = 	snop  }
0x5: {  	_ = 	snop  }
0x6: {  	_ = 	snop  }
0x7: {  	_ = 	snop  }
__scs_overlays_trampoline_lowered:
0x8: {  	[smem:$0x3FAA] =	sst s0  }
0x9: {  	[smem:$0x3FAB] =	sst s1  }
0xa: {  	[smem:$0x3FAC] =	sst s2  }
0xb: {  	[smem:$0x3FAD] =	sst s3  }
0xc: {  	[smem:$0x3FAE] =	sst s4  }
0xd: {  	[smem:$0x3FAF] =	sst s5  }
0xe: {  	[smem:$0x3FB0] =	sst s6  }
0xf: {  	[smem:$0x3FB1] =	sst s7  }
0x10: {  	[smem:$0x3FB2] =	sst s8  }
0x11: {  	[smem:$0x3FB3] =	sst s9;
	s0 =	simm.s32 @!p0 $0x0  }
0x12: {  	s1 =	sld [smem:$0x3F99];
	s0 =	simm.s32 @p0 $0x1  }
0x13: {  	[smem:$0x3FB4] =	sst s0;
	s0 =	simm.s32 @!p1 $0x0  }
0x14: {  	s2 =	sld [smem:$0x3F98];
	s0 =	simm.s32 @p1 $0x1  }
0x15: {  	[smem:$0x3FB5] =	sst s0;
	s0 =	simm.s32 @!p2 $0x0  }
0x16: {  	s3 =	sld [smem:$0x3FDB];
	s0 =	simm.s32 @p2 $0x1  }
0x17: {  	s4 =	simm.s32 $0x1BF5;
	[smem:$0x3FB7] =	sst s0  }
0x18: {  	s0 =	sld [smem:$0x3F9A];
	_ =	swait.ge [sflag:s4], $0x0  }
0x19: {  	s7 =	sld [smem:$0x3F9B]  }
0x1a: {  	s8 =	sadd.s32 $0xFFFFE003, lr  }
0x1b: {  	s9 =	sadd.s32 $0xFFFFFEF7, lr;
	s5 =	simm.s32 $0xFFFFFFFF;
	p2 =	slt.u32 s8, $0xFFFFF086  }
0x1c: {  	p1 =	slt.u32 s9, $0xF7A;
	s5 =	simm.s32 @!p2 $0x0  }
0x1d: {  	s5 =	simm.s32 @p1 $0x1;
	p0 =	seq.s32 s7, s2  }
0x1e: {  	s7 =	smul.u32 @!p0 $0xF7A, s2;
	p2 =	seq.s32 @!p0 s5, $0x0  }
0x1f: {  	s9 =	smul.u32 $0xF7A, s1;
	s8 =	simm.s32 @!p0 $0x1BF5;
	p2 =	por !p2, p0  }
0x20: {  	[sflag:s8] =	ssyncset.s32 @!p0 $0xFFFFF086;
	s6 =	sadd.s32 @!p0 s3, s7;
	s7 =	simm.s32 @!p0 $0x108  }
0x21: {  	s3 =	sadd.s32 s3, s9;
	s6 =	sadd.s32 @!p0 $0x88, s6;
	s7 =	simm.s32 @p2 $0x1082  }
0x22: {  	[simem:s7], [sflag:s8] =	dma.local @!p0 [hbm:s6], $0xF7A  }
0x23: {  	s9 =	sor.u32 $0xD0000000, s2;
	s6 =	simm.s32 $0x108;
	_ =	swait.ge @!p0 [sflag:s8], $0x0  }
0x24: {  	s3 =	sadd.s32 $0x88, s3;
	s6 =	simm.s32 @!p1 $0x1082;
	[sflag:s4] =	ssyncset.s32 $0xFFFFF086  }
0x25: {  	[simem:s6], [sflag:s4] =	dma.local [hbm:s3], $0xF7A  }
0x26: {  	[smem:$0x3F9B] =	sst s1;
	(tag) =	ssettag s2;
	_ =	strace s9  }
0x27: {  	s1 =	sld [smem:$0x3FAB]  }
0x28: {  	s2 =	sld [smem:$0x3FAC]  }
0x29: {  	s4 =	sld [smem:$0x3FAE]  }
0x2a: {  	p0 =	seq.s32 s5, $0x0;
	s5 =	sld [smem:$0x3FAF]  }
0x2b: {  	s6 =	sld [smem:$0x3FB0]  }
0x2c: {  	s7 =	sld [smem:$0x3FB1]  }
0x2d: {  	s3 =	simm.s32 $0x108;
	s8 =	sld [smem:$0x3FB2]  }
0x2e: {  	s3 =	simm.s32 @!p0 $0x1082;
	s9 =	sld [smem:$0x3FB3]  }
0x2f: {  	lr =	sadd.s32 s0, s3;
	s0 =	sld [smem:$0x3FAA]  }
0x30: {  	s3 =	sld [smem:$0x3FAD]  }
0x31: {  	[smem:$0x3FB6] =	sst s10  }
0x32: {  	s10 =	sld [smem:$0x3FB4];
	_ =	sdelay $0x3  }
0x33: {  	p0 =	seq.s32 s10, $0x1;
	s10 =	sld [smem:$0x3FB6];
	_ =	sdelay $0x3  }
0x34: {  	[smem:$0x3FB6] =	sst s10  }
0x35: {  	s10 =	sld [smem:$0x3FB5];
	_ =	sdelay $0x3  }
0x36: {  	p1 =	seq.s32 s10, $0x1;
	s10 =	sld [smem:$0x3FB6];
	_ =	sdelay $0x3  }
0x37: {  	[smem:$0x3FB6] =	sst s10  }
0x38: {  	s10 =	sld [smem:$0x3FB7]  }
0x39: {  	_ = 	snop;
	(pc) =	sbr.ind lr, $3  }
0x3a: {  	_ = 	snop  }
0x3b: {  	_ = 	snop  }
0x3c: {  	p2 =	seq.s32 s10, $0x1;
	s10 =	sld [smem:$0x3FB6]  }
0x3d: {  	_ =	shalt  }
0x3e: {  	_ =	shalt  }
0x3f: {  	_ =	shalt  }
0x40: {  	_ =	shalt  }
0x41: {  	_ =	shalt  }
0x42: {  	_ =	shalt  }
0x43: {  	_ =	shalt  }
0x44: {  	_ =	shalt  }
0x45: {  	_ =	shalt  }
0x46: {  	_ =	shalt  }
0x47: {  	_ =	shalt  }
0x48: {  	_ =	shalt  }
0x49: {  	_ =	shalt  }
0x4a: {  	_ =	shalt  }
0x4b: {  	_ =	shalt  }
0x4c: {  	_ =	shalt  }
0x4d: {  	_ =	shalt  }
0x4e: {  	_ =	shalt  }
0x4f: {  	_ =	shalt  }
0x50: {  	_ =	shalt  }
0x51: {  	_ =	shalt  }
0x52: {  	_ =	shalt  }
0x53: {  	_ =	shalt  }
0x54: {  	_ =	shalt  }
0x55: {  	_ =	shalt  }
0x56: {  	_ =	shalt  }
0x57: {  	_ =	shalt  }
0x58: {  	_ =	shalt  }
0x59: {  	_ =	shalt  }
0x5a: {  	_ =	shalt  }
0x5b: {  	_ =	shalt  }
0x5c: {  	_ =	shalt  }
0x5d: {  	_ =	shalt  }
0x5e: {  	_ =	shalt  }
0x5f: {  	_ =	shalt  }
0x60: {  	_ =	shalt  }
0x61: {  	_ =	shalt  }
0x62: {  	_ =	shalt  }
0x63: {  	_ =	shalt  }
0x64: {  	_ =	shalt  }
0x65: {  	_ =	shalt  }
0x66: {  	_ =	shalt  }
0x67: {  	_ =	shalt  }
0x68: {  	_ =	shalt  }
0x69: {  	_ =	shalt  }
0x6a: {  	_ =	shalt  }
0x6b: {  	_ =	shalt  }
0x6c: {  	_ =	shalt  }
0x6d: {  	_ =	shalt  }
0x6e: {  	_ =	shalt  }
0x6f: {  	_ =	shalt  }
0x70: {  	_ =	shalt  }
0x71: {  	_ =	shalt  }
0x72: {  	_ =	shalt  }
0x73: {  	_ =	shalt  }
0x74: {  	_ =	shalt  }
0x75: {  	_ =	shalt  }
0x76: {  	_ =	shalt  }
0x77: {  	_ =	shalt  }
0x78: {  	_ =	shalt  }
0x79: {  	_ =	shalt  }
0x7a: {  	_ =	shalt  }
0x7b: {  	_ =	shalt  }
0x7c: {  	_ =	shalt  }
0x7d: {  	_ =	shalt  }
0x7e: {  	_ =	shalt  }
0x7f: {  	_ =	shalt  }
0x80: {  	_ =	shalt  }
0x81: {  	_ =	shalt  }
0x82: {  	_ =	shalt  }
0x83: {  	_ =	shalt  }
0x84: {  	_ =	shalt  }
0x85: {  	_ =	shalt  }
0x86: {  	_ =	shalt  }
0x87: {  	_ =	shalt  }
.Lfunc_end0:
.L_simem_size_0:
called_computation_lowered:
.L_overlay_start_0:
0x88: {  	s2 =	sld [smem:$0x3FD9]  }
0x89: {  	s3 =	sld [smem:$0x3FFE];
	_ =	sdelay $0x1  }
0x8a: {  	s1 =	srdreg.scid  }
0x8b: {  	s0 =	sand.u32 $0x1, s1  }
0x8c: {  	s17 =	sshll.u32 s0, $0xA;
	s2 =	sadd.s32 s3, s2  }
0x8d: {  	s2 =	sadd.s32 s2, s17  }
0x8e: {  	[smem:$0x3FC2] =	sst s2  }
0x8f: {  	_ = 	snop  }
0x90: {  	s2 =	sld [smem:$0x3FC9]  }
0x91: {  	s18 =	sld [smem:$0x3FC8]  }
0x92: {  	s4 =	sld [smem:$0x3FC7]  }
0x93: {  	s5 =	sld [smem:$0x3FC6]  }
0x94: {  	s6 =	sld [smem:$0x3FD0];
	(tm) =	ssettm $0x1  }
0x95: {  	s7 =	sld [smem:$0x3FFB];
	_ =	sdelay $0x3  }
0x96: {  	_ =	strace s7  }
0x97: {  	s7 =	sld [smem:$0x3FFC];
	_ =	sdelay $0x3  }
0x98: {  	_ =	strace s7  }
0x99: {  	s7 =	sld [smem:$0x3FFD];
	_ =	sdelay $0x3  }
0x9a: {  	_ =	strace s7  }
0x9b: {  	_ =	strace $0x8FFFFFFF  }
0x9c: {  	s19 =	sld [smem:$0x3FDB];
	_ =	sdelay $0x1  }
0x9d: {  	s8 =	simm.s32 $_scs_section_size  }
0x9e: {  	s9 =	simm.s32 $_size__tile_overlayer_lowered;
	s10 =	simm.s32 $_tile_overlayer_lowered  }
0x9f: {  	s22 =	simm.s32 $0x1BFF;
	s21 =	sshll.u32 s10, $0x1;
	s7 =	sadd.s32 s8, s19  }
0xa0: {  	s11 =	simm.s32 $0x0;
	s20 =	sshll.u32 s9, $0x1;
	s9 =	sadd.s32 s21, s7  }
0xa1: {  	[timem:s11], [sflag:s22] =	dma.local [hbm:s9], s20  }
0xa2: {  	_ =	swait.ge [sflag:s22], s20  }
0xa3: {  	s8 =	ssub.s32 $0x0, s20;
	[sflag:s22] =	ssyncset.done $0x0  }
0xa4: {  	[sflag:s22] =	ssyncadd.s32 s8;
	_ =	sdelay $0x1  }
0xa5: {  	s23 =	simm.s32 $0x1B8B  }
0xa6: {  	_ =	swait.ge [sflag:s23], $0x1  }
0xa7: {  	[sflag:s23] =	ssyncset.done $0x0  }
0xa8: {  	s25 =	simm.s32 $0x1B8E;
	s24 =	sld [smem:$0x3FFE];
	[sflag:s23] =	ssyncadd.s32 $0xFFFFFFFF  }
0xa9: {  	s26 =	simm.s32 $execute0_lowered;
	[smem:$0x3FD2] =	sst s25  }
0xaa: {  	s9 =	sshll.u32 s26, $0x1;
	_ =	strace $0x80000046;
	[dreg:$0x1] =	wrdreg $0xFFFFFFFF  }
0xab: {  	s28 =	simm.s32 $_size_execute0_lowered;
	s7 =	sadd.s32 s7, s9;
	[dreg:$0x0] =	wrdreg $0x0  }
0xac: {  	s9 =	sshll.u32 s28, $0x1;
	[dreg:$0x2] =	wrdreg s7  }
0xad: {  	[dreg:$0x3] =	wrdreg s9  }
0xae: {  	[dreg:$0x4] =	wrdreg $0xC0  }
0xaf: {  	_ =	task [dreg:s11], $0x5FFFF  }
0xb0: {  	[dreg:$0x1] =	wrdreg $0xFFFFFFFF  }
0xb1: {  	[dreg:$0x0] =	wrdreg $0x60  }
0xb2: {  	[dreg:$0x2] =	wrdreg s2  }
0xb3: {  	[dreg:$0x3] =	wrdreg s18  }
0xb4: {  	[dreg:$0x4] =	wrdreg s4  }
0xb5: {  	[dreg:$0x5] =	wrdreg s5  }
0xb6: {  	[dreg:$0x6] =	wrdreg s24  }
0xb7: {  	[dreg:$0x7] =	wrdreg s6  }
0xb8: {  	[dreg:$0x8] =	wrdreg $0x9  }
0xb9: {  	_ =	task.clear_ibuf [dreg:s11], $0x9FFFF;
	_ =	strace $0x90000046  }
0xba: {  	s29 =	simm.s32 $0x9;
	_ =	strace $0x80000048  }
0xbb: {  	_ =	swait.ge [sflag:s29], $0x1  }
0xbc: {  	[sflag:s29] =	ssyncadd.s32 $0xFFFFFFFF  }
0xbd: {  	_ =	strace $0x90000048  }
0xbe: {  	_ =	sfence  }
0xbf: {  	s30 =	sld [smem:$0x0];
	_ =	sdelay $0x2  }
0xc0: {  	s31 =	sshll.u32 s1, $0xD;
	s1 =	sshrl.u32 s1, $0x2  }
0xc1: {  	s3 =	sand.u32 $0x4000, s31;
	s1 =	sadd.s32 s1, s30  }
0xc2: {  	s0 =	sor.u32 s3, s0;
	s1 =	sshll.u32 s1, $0x11  }
0xc3: {  	s0 =	sor.u32 s1, s0  }
0xc4: {  	s0 =	sadd.s32 $0x8F2B, s0  }
0xc5: {  	[sflag:s0] =	ssyncadd.remote.s32 $0x1  }
0xc6: {  	_ =	sfence.sel $0xFFFF  }
0xc7: {  	[dreg:$0x0] =	wrdreg $0xFFFFFFFF;
	(pc) =	sbr.abs _section_cstart, $3  }
0xc8: {  	[dreg:$0x1] =	wrdreg $0xFFFFFFFF  }
0xc9: {  	_ =	task.clear_ibuf [dreg:s11], $0x2FFFF;
	_ =	strace $0x9FFFFFFF  }
0xca: {  	(tm) =	ssettm $0x7FFFFFFF  }
0xcb: {  	_ =	shalt  }
tec
execute0_lowered:
.L_overlay_start_1:
0x0: {  	(tag) =	ssettag $0x1  }
0x1: {  	s0 =	rddreg [dreg:$0x0]  }
0x2: {  	s6 =	rddreg [dreg:$0x1]  }
0x3: {  	s7 =	rddreg [dreg:$0x2]  }
0x4: {  	s1 =	rddreg [dreg:$0x3]  }
0x5: {  	s4 =	rddreg [dreg:$0x4]  }
0x6: {  	s8 =	rddreg [dreg:$0x5];
	s3 =	simm.s32 $0x0  }
0x7: {  	s5 =	srdreg.scid;
	s2 =	stileid.u32;
	s12 =	simm.s32 $0x400  }
0x8: {  	s13 =	simm.s32 $0x40;
	s16 =	simm.s32 $0x240;
	s17 =	simm.s32 $0x8600  }
0x9: {  	s18 =	simm.s32 $0x440;
	s19 =	simm.s32 $0xE600;
	s20 =	simm.s32 $0x12600  }
0xa: {  	s21 =	simm.s32 $0x0;
	[smem:$0x7FF] =	sst s3;
	s5 =	sand.u32 $0x1, s5  }
0xb: {  	s10 =	sshll.u32 s2, $0x7;
	s9 =	ssub.s32 $0x2, s5;
	s5 =	sshll.u32 s5, $0x6  }
0xc: {  	s4 =	sadd.s32 $0x400, s4;
	s11 =	sshrl.u32 s9, $0x1;
	s10 =	sor.u32 s5, s10  }
0xd: {  	_ =	strace $0x80000047;
	s9 =	ssub.s32 s9, s11;
	s5 =	sadd.s32 s0, s10  }
0xe: {  	s6 =	sadd.s32 s6, s10;
	s7 =	sadd.s32 s7, s10;
	s8 =	sadd.s32 s8, s10  }
0xf: {  	s10 =	simm.s32 $0x4;
	s11 =	simm.s32 $0x200;
	s9 =	smax.u32 s9, $0x1  }
.LBB2_1:
0x10: {  	[tilespmem:s3], [sflag:$0x4] =	stream.linear.gather [hbm4b:s5+s3], $0x200, $0x38;
	[tilespmem:$0x12800] =	vst v63  }
0x11: {  	_ =	swait.ge [sflag:s10], $0x200  }
0x12: {  	[sflag:s10] =	ssyncset.done $0x0  }
0x13: {  	[sflag:s10] =	ssyncadd.s32 $0xFFFFFE00  }
0x14: {  	[tilespmem:s11], [sflag:$0x4] =	stream.linear.gather [hbm4b:s6+s3], $0x200, $0x38;
	[tilespmem:$0x12800] =	vst v63  }
0x15: {  	_ =	swait.ge [sflag:s10], $0x200  }
0x16: {  	[sflag:s10] =	ssyncset.done $0x0  }
0x17: {  	[sflag:s10] =	ssyncadd.s32 $0xFFFFFE00  }
0x18: {  	[tilespmem:s12], [sflag:$0x4] =	stream.linear.gather [hbm4b:s7+s3], $0x200, $0x38;
	[tilespmem:$0x12800] =	vst v63  }
0x19: {  	_ =	swait.ge [sflag:s10], $0x200  }
0x1a: {  	[sflag:s10] =	ssyncset.done $0x0  }
0x1b: {  	s0 =	simm.s32 $0x600;
	[sflag:s10] =	ssyncadd.s32 $0xFFFFFE00  }
0x1c: {  	[tilespmem:s0], [sflag:$0x1] =	stream.indirect.gather [hbm4b:s1+s13], $0x80, s3, s13, $0xb8;
	[tilespmem:$0x12800] =	vst v63  }
0x1d: {  	s22 =	simm.s32 $0x6600  }
0x1e: {  	[tilespmem:s22], [sflag:$0x1] =	stream.indirect.gather [hbm4b:s1+s13], $0x80, s11, s13, $0xb8;
	[tilespmem:$0x12800] =	vst v63  }
0x1f: {  	s23 =	simm.s32 $0xC600  }
0x20: {  	[tilespmem:s23], [sflag:$0x1] =	stream.indirect.gather [hbm4b:s4+s13], $0x80, s12, s13, $0xb8;
	[tilespmem:$0x12800] =	vst v63  }
0x21: {  	s31 =	simm.s32 $0x2600  }
0x22: {  	[tilespmem:s31], [sflag:$0x2] =	stream.indirect.gather [hbm4b:s1+s13], $0x80, s13, s13, $0xb8;
	[tilespmem:$0x12800] =	vst v63  }
0x23: {  	_ = 	snop  }
0x24: {  	[tilespmem:s17], [sflag:$0x2] =	stream.indirect.gather [hbm4b:s1+s13], $0x80, s16, s13, $0xb8;
	[tilespmem:$0x12800] =	vst v63  }
0x25: {  	s24 =	simm.s32 $0x7F0;
	s25 =	simm.s32 $0x0;
	s26 =	simm.s32 $0x0  }
0x26: {  	[tilespmem:s19], [sflag:$0x2] =	stream.indirect.gather [hbm4b:s4+s13], $0x80, s18, s13, $0xb8;
	[tilespmem:$0x12800] =	vst v63  }
.LBB2_2:
0x27: {  	p0 =	sgt.u32 s26, $0x5  }
0x28: {  	s0 =	sadd.s32 @!p0 $0x2, s26  }
0x29: {  	s28 =	smul.u32 @!p0 $0xAB, s0;
	_ =	sdelay $0x1  }
0x2a: {  	s28 =	sshrl.u32 @!p0 s28, $0x9  }
0x2b: {  	s29 =	smul.u32 $0xAB, s26;
	s28 =	sand.u32 @!p0 $0x7F, s28  }
0x2c: {  	s28 =	smul.u32 @!p0 $0x3, s28;
	_ =	sdelay $0x1  }
0x2d: {  	s29 =	sshrl.u32 s29, $0x9;
	s28 =	ssub.s32 @!p0 s0, s28  }
0x2e: {  	s30 =	smulhi.u32 $0xAAAAAAAB, s26;
	s29 =	sand.u32 $0x7F, s29;
	s28 =	sand.u32 @!p0 $0xFF, s28  }
0x2f: {  	s14 =	simm.s32 @!p0 $0x40;
	s29 =	smul.u32 $0x3, s29;
	s31 =	sshll.u32 @!p0 s28, $0xD  }
0x30: {  	s0 =	sshll.u32 @!p0 s0, $0x6;
	s28 =	sadd.s32 @!p0 $0x1, s28;
	s2 =	sor.u32 @!p0 $0x600, s31  }
0x31: {  	[tilespmem:s2], [sflag:s28] =	stream.indirect.gather @!p0 [hbm4b:s1+s14], $0x80, s0, s14, $0xb8;
	[tilespmem:$0x12800] =	vst v63  }
0x32: {  	s15 =	sadd.s32 @!p0 $0x200, s0;
	s2 =	ssub.s32 s26, s29;
	s29 =	sadd.s32 @!p0 $0x6600, s31  }
0x33: {  	[tilespmem:s29], [sflag:s28] =	stream.indirect.gather @!p0 [hbm4b:s1+s14], $0x80, s15, s14, $0xb8;
	[tilespmem:$0x12800] =	vst v63  }
0x34: {  	s0 =	sadd.s32 @!p0 $0x400, s0;
	s2 =	sand.u32 $0xFF, s2;
	s15 =	sadd.s32 @!p0 $0xC600, s31  }
0x35: {  	[tilespmem:s15], [sflag:s28] =	stream.indirect.gather @!p0 [hbm4b:s4+s14], $0x80, s0, s14, $0xb8;
	[tilespmem:$0x12800] =	vst v63  }
0x36: {  	s15 =	sadd.s32 $0x1, s2  }
0x37: {  	s14 =	sshrl.u32 s30, $0x1;
	_ =	swait.ge [sflag:s15], $0x2000  }
0x38: {  	s2 =	smul.u32 $0xFFFE8000, s14;
	[sflag:s15] =	ssyncset.done $0x0  }
0x39: {  	[sflag:s15] =	ssyncadd.s32 $0xFFFFE000  }
0x3a: {  	s2 =	sshra.s32 s2, $0x2;
	_ =	swait.ge [sflag:s15], $0x2000  }
0x3b: {  	v0 =	vmov s2;
	[sflag:s15] =	ssyncset.done $0x0  }
0x3c: {  	[sflag:s15] =	ssyncadd.s32 $0xFFFFE000  }
0x3d: {  	_ =	swait.ge [sflag:s15], $0x2000  }
0x3e: {  	[sflag:s15] =	ssyncset.done $0x0  }
0x3f: {  	[sflag:s15] =	ssyncadd.s32 $0xFFFFE000  }
0x40: {  	v1 =	vld.idx.msk [tilespmem:v0+s24+$0x0 ss:$0x1], $0xffff  }
0x41: {  	v2 =	vld.idx.msk [tilespmem:v0+s24+$0xFFFFFFE0 ss:$0x1], $0xffff  }
0x42: {  	v3 =	vld.idx.msk [tilespmem:v0+s24+$0xFFFFFFC0 ss:$0x1], $0xffff  }
0x43: {  	v4 =	vld.idx.msk [tilespmem:v0+s24+$0xFFFFFFB0 ss:$0x1], $0xffff  }
0x44: {  	v5 =	vld.idx.msk [tilespmem:v0+s24+$0xFFFFFF90 ss:$0x1], $0xffff  }
0x45: {  	v6 =	vld.idx.msk [tilespmem:v0+s22+$0x180 ss:$0x1], $0xffff  }
0x46: {  	v7 =	vld.idx.msk [tilespmem:v0+s24+$0xFFFFFFA0 ss:$0x1], $0xffff  }
0x47: {  	v8 =	vld.idx.msk [tilespmem:v0+s22+$0x190 ss:$0x1], $0xffff  }
0x48: {  	v9 =	vld.idx.msk [tilespmem:v0+s23+$0x1C0 ss:$0x1], $0xffff  }
0x49: {  	v10 =	vld.idx.msk [tilespmem:v0+s22+$0x1A0 ss:$0x1], $0xffff  }
0x4a: {  	v11 =	vld.idx.msk [tilespmem:v0+s23+$0x1D0 ss:$0x1], $0xffff  }
0x4b: {  	v12 =	vld.idx.msk [tilespmem:v0+s22+$0x1B0 ss:$0x1], $0xffff  }
0x4c: {  	v13 =	vld.idx.msk [tilespmem:v0+s24+$0xFFFFFFD0 ss:$0x1], $0xffff  }
0x4d: {  	v14 =	vld.idx.msk [tilespmem:v0+s22+$0x1C0 ss:$0x1], $0xffff  }
0x4e: {  	v15 =	vld.idx.msk [tilespmem:v0+s23+$0x1E0 ss:$0x1], $0xffff  }
0x4f: {  	v16 =	vld.idx.msk [tilespmem:v0+s22+$0x1D0 ss:$0x1], $0xffff;
	v21 =	vsub.f32 v5, v6;
	v7 =	vsub.f32 v7, v8  }
0x50: {  	v17 =	vld.idx.msk [tilespmem:v0+s24+$0xFFFFFFF0 ss:$0x1], $0xffff;
	v8 =	vshll.u32 v9, $0x10;
	v24 =	vand.u32 $0xFFFF0000, v9  }
0x51: {  	v56 =	vld.idx.msk [tilespmem:v0+s22+$0x1E0 ss:$0x1], $0xffff;
	v25 =	vsub.f32 v4, v10;
	v57 =	vmul.f32 v8, v21;
	v9 =	vmul.f32 v24, v7  }
0x52: {  	v18 =	vld.idx.msk [tilespmem:v0+s22+$0x0 ss:$0x1], $0xffff;
	v27 =	vshll.u32 v11, $0x10  }
0x53: {  	v19 =	vld.idx.msk [tilespmem:v0+s22+$0x80 ss:$0x1], $0xffff;
	v3 =	vsub.f32 v3, v12;
	v4 =	vadd.f32 v9, v57;
	v9 =	vmul.f32 v27, v25  }
0x54: {  	v20 =	vld.idx.msk [tilespmem:v0+s22+$0x90 ss:$0x1], $0xffff;
	v28 =	vand.u32 $0xFFFF0000, v11  }
0x55: {  	v6 =	vld.idx.msk [tilespmem:v0+s23+$0x1F0 ss:$0x1], $0xffff;
	v13 =	vsub.f32 v13, v14;
	v4 =	vadd.f32 v9, v4;
	v9 =	vmul.f32 v28, v3  }
0x56: {  	v10 =	vld.idx.msk [tilespmem:v0+s22+$0x1F0 ss:$0x1], $0xffff;
	v29 =	vshll.u32 v15, $0x10  }
0x57: {  	v31 =	vld.idx.msk [tilespmem:v0+s22+$0x100 ss:$0x1], $0xffff;
	v2 =	vsub.f32 v2, v16;
	v4 =	vadd.f32 v4, v9;
	v9 =	vmul.f32 v29, v13  }
0x58: {  	v32 =	vld.idx.msk [tilespmem:v0+s24+$0xFFFFFF20 ss:$0x1], $0xffff;
	v15 =	vand.u32 $0xFFFF0000, v15  }
0x59: {  	v34 =	vld.idx.msk [tilespmem:v0+s23+$0x40 ss:$0x1], $0xffff;
	v17 =	vsub.f32 v17, v56;
	v58 =	vmul.f32 v15, v2;
	v4 =	vadd.f32 v4, v9  }
0x5a: {  	v61 =	vld.idx.msk [tilespmem:v0+s23+$0xC0 ss:$0x1], $0xffff;
	v30 =	vshll.u32 v6, $0x10  }
0x5b: {  	v35 =	vld.idx.msk [tilespmem:v0+s23+$0x140 ss:$0x1], $0xffff;
	v1 =	vsub.f32 v1, v10;
	v59 =	vmul.f32 v30, v17;
	v4 =	vadd.f32 v4, v58  }
0x5c: {  	v36 =	vld.idx.msk [tilespmem:v0+s24+$0xFFFFFE30 ss:$0x1], $0xffff;
	v33 =	vand.u32 $0xFFFF0000, v6  }
0x5d: {  	v37 =	vld.idx.msk [tilespmem:v0+s23+$0x180 ss:$0x1], $0xffff;
	v60 =	vmul.f32 v33, v1;
	v4 =	vadd.f32 v4, v59  }
0x5e: {  	v38 =	vld.idx.msk [tilespmem:v0+s23+$0x190 ss:$0x1], $0xffff  }
0x5f: {  	v40 =	vld.idx.msk [tilespmem:v0+s22+$0x20 ss:$0x1], $0xffff;
	v4 =	vadd.f32 v4, v60  }
0x60: {  	v41 =	vld.idx.msk [tilespmem:v0+s24+$0xFFFFFEB0 ss:$0x1], $0xffff  }
0x61: {  	v62 =	vld.idx.msk [tilespmem:v0+s22+$0x120 ss:$0x1], $0xffff;
	(xrf2) =	vadd.scan.msk.f32 $0xffff, v4  }
0x62: {  	v12 =	vld.idx.msk [tilespmem:v0+s24+$0xFFFFFE20 ss:$0x1], $0xffff  }
0x63: {  	v11 =	vld.idx.msk [tilespmem:v0+s22+$0x10 ss:$0x1], $0xffff  }
0x64: {  	v16 =	vld.idx.msk [tilespmem:v0+s24+$0xFFFFFEA0 ss:$0x1], $0xffff  }
0x65: {  	v14 =	vld.idx.msk [tilespmem:v0+s24+$0xFFFFFE90 ss:$0x1], $0xffff  }
0x66: {  	v43 =	vshll.u32 v37, $0x10;
	v10 =	vld.idx.msk [tilespmem:v0+s24+$0xFFFFFE10 ss:$0x1], $0xffff  }
0x67: {  	v37 =	vand.u32 $0xFFFF0000, v37;
	v21 =	vadd.f32 v43, v21;
	v6 =	vld.idx.msk [tilespmem:v0+s22+$0x110 ss:$0x1], $0xffff  }
0x68: {  	v46 =	vld.idx.msk [tilespmem:v0+s23+$0x50 ss:$0x1], $0xffff;
	v53 =	vshll.u32 v38, $0x10;
	v7 =	vadd.f32 v37, v7;
	v43 =	vsub.f32 v36, v40  }
0x69: {  	v5 =	vand.u32 $0xFFFF0000, v35;
	v25 =	vadd.f32 v53, v25;
	v20 =	vsub.f32 v16, v20;
	v16 =	vld.idx.msk [tilespmem:v0+s24+$0xFFFFFF30 ss:$0x1], $0xffff  }
0x6a: {  	v38 =	vand.u32 $0xFFFF0000, v38;
	v22 =	vsub.f32 v12, v11;
	v23 =	vsub.f32 v14, v19;
	v9 =	vld.idx.msk [tilespmem:v0+s24+$0xFFFFFF10 ss:$0x1], $0xffff  }
0x6b: {  	v42 =	vld.idx.msk [tilespmem:v0+s23+$0x1B0 ss:$0x1], $0xffff;
	v11 =	vand.u32 $0xFFFF0000, v34;
	v3 =	vadd.f32 v38, v3;
	v26 =	vsub.f32 v10, v18;
	v39, _, _ =	vpop (xrf2)  }
0x6c: {  	v14 =	vld.idx.msk [tilespmem:v0+s23+$0x1A0 ss:$0x1], $0xffff;
	v18 =	vsub.f32 v32, v6;
	v6 =	vshll.u32 v61, $0x10;
	v39 =	vbroadcast v39, $0xF  }
0x6d: {  	v48 =	vld.idx.msk [tilespmem:v0+s23+$0xD0 ss:$0x1], $0xffff;
	v10 =	vshll.u32 v34, $0x10;
	v34 =	vmul.f32 v11, v22;
	v63 =	vmul.f32 v6, v23  }
0x6e: {  	v49 =	vld.idx.msk [tilespmem:v0+s23+$0x150 ss:$0x1], $0xffff;
	v44 =	vsub.f32 v16, v62;
	v8 =	vmul.f32 v8, v39;
	v24 =	vmul.f32 v24, v39  }
0x6f: {  	v54 =	vld.idx.msk [tilespmem:v0+s24+$0xFFFFFE40 ss:$0x1], $0xffff;
	v51 =	vmul.f32 v5, v18;
	v19 =	vsub.f32 v9, v31;
	v4 =	vshll.u32 v35, $0x10  }
0x70: {  	v50 =	vld.idx.msk [tilespmem:v0+s22+$0x30 ss:$0x1], $0xffff;
	v8 =	vsub.f32 v21, v8;
	v7 =	vsub.f32 v7, v24;
	v21 =	vmul.f32 v27, v39  }
0x71: {  	v55 =	vld.idx.msk [tilespmem:v0+s22+$0xB0 ss:$0x1], $0xffff;
	v47 =	vmul.f32 v4, v19;
	v28 =	vmul.f32 v28, v39;
	v27 =	vshll.u32 v14, $0x10  }
0x72: {  	v12 =	vld.idx.msk [tilespmem:v0+s22+$0xA0 ss:$0x1], $0xffff;
	v8 =	vand.u32 $0x7FFFFFFF, v8;
	v7 =	vand.u32 $0x7FFFFFFF, v7;
	v21 =	vsub.f32 v25, v21  }
0x73: {  	v16 =	vld.idx.msk [tilespmem:v0+s22+$0x50 ss:$0x1], $0xffff;
	v14 =	vand.u32 $0xFFFF0000, v14;
	v3 =	vsub.f32 v3, v28;
	v7 =	vadd.f32 v7, v8  }
0x74: {  	v59 =	vld.idx.msk [tilespmem:v0+s22+$0xD0 ss:$0x1], $0xffff;
	v13 =	vadd.f32 v27, v13;
	v27 =	vmul.f32 v29, v39;
	v21 =	vand.u32 $0x7FFFFFFF, v21  }
0x75: {  	v15 =	vmul.f32 v15, v39;
	v24 =	vld.idx.msk [tilespmem:v0+s24+$0xFFFFFEC0 ss:$0x1], $0xffff;
	v2 =	vadd.f32 v14, v2;
	v7 =	vadd.f32 v7, v21  }
0x76: {  	v28 =	vld.idx.msk [tilespmem:v0+s24+$0xFFFFFE50 ss:$0x1], $0xffff;
	v14 =	vshll.u32 v42, $0x10;
	v3 =	vand.u32 $0x7FFFFFFF, v3;
	v13 =	vsub.f32 v13, v27  }
0x77: {  	v29 =	vld.idx.msk [tilespmem:v0+s24+$0xFFFFFED0 ss:$0x1], $0xffff;
	v14 =	vadd.f32 v14, v17;
	v17 =	vand.u32 $0xFFFF0000, v42;
	v3 =	vadd.f32 v7, v3  }
0x78: {  	v25 =	vld.idx.msk [tilespmem:v0+s24+$0xFFFFFF40 ss:$0x1], $0xffff;
	v2 =	vsub.f32 v2, v15;
	v15 =	vmul.f32 v30, v39;
	v13 =	vand.u32 $0x7FFFFFFF, v13  }
0x79: {  	v8 =	vld.idx.msk [tilespmem:v0+s22+$0x130 ss:$0x1], $0xffff;
	v1 =	vadd.f32 v17, v1;
	v27 =	vshll.u32 v49, $0x10;
	v3 =	vadd.f32 v3, v13  }
0x7a: {  	v30 =	vld.idx.msk [tilespmem:v0+s24+$0xFFFFFF50 ss:$0x1], $0xffff;
	v2 =	vand.u32 $0x7FFFFFFF, v2;
	v14 =	vsub.f32 v14, v15;
	v15 =	vmul.f32 v33, v39  }
0x7b: {  	v57 =	vadd.f32 v51, v47;
	v17 =	vld.idx.msk [tilespmem:v0+s23+$0x60 ss:$0x1], $0xffff;
	v62 =	vmul.f32 v27, v44;
	v2 =	vadd.f32 v3, v2  }
0x7c: {  	v42 =	vsub.f32 v41, v12;
	v21 =	vld.idx.msk [tilespmem:v0+s22+$0x40 ss:$0x1], $0xffff;
	v12 =	vand.u32 $0x7FFFFFFF, v14;
	v1 =	vsub.f32 v1, v15  }
0x7d: {  	v9 =	vand.u32 $0xFFFF0000, v61;
	v60 =	vadd.f32 v62, v57;
	v62 =	vld.idx.msk [tilespmem:v0+s24+$0xFFFFFEF0 ss:$0x1], $0xffff;
	v2 =	vadd.f32 v2, v12  }
0x7e: {  	v31 =	vmul.f32 v10, v26;
	v45 =	vmul.f32 v9, v20;
	v7 =	vld.idx.msk [tilespmem:v0+s22+$0xC0 ss:$0x1], $0xffff;
	v1 =	vand.u32 $0x7FFFFFFF, v1  }
0x7f: {  	v39 =	vshll.u32 v46, $0x10;
	v14 =	vld.idx.msk [tilespmem:v0+s23+$0x160 ss:$0x1], $0xffff;
	v1 =	vadd.f32 v2, v1  }
0x80: {  	v56 =	vmul.f32 v39, v43;
	v15 =	vadd.f32 v34, v31;
	v31 =	vadd.f32 v45, v63;
	v63 =	vld.idx.msk [tilespmem:v0+s24+$0xFFFFFE70 ss:$0x1], $0xffff  }
0x81: {  	v36 =	vshll.u32 v48, $0x10;
	v13 =	vld.idx.msk [tilespmem:v0+s22+$0x140 ss:$0x1], $0xffff;
	(xrf2) =	vadd.scan.msk.f32 $0xffff, v1  }
0x82: {  	v41 =	vand.u32 $0xFFFF0000, v46;
	v46 =	vsub.f32 v25, v8;
	v8 =	vadd.f32 v56, v15;
	v15 =	vld.idx.msk [tilespmem:v0+s22+$0x150 ss:$0x1], $0xffff  }
0x83: {  	v58 =	vmul.f32 v36, v42;
	v45 =	vsub.f32 v54, v50;
	v56 =	vld.idx.msk [tilespmem:v0+s24+$0xFFFFFE80 ss:$0x1], $0xffff  }
0x84: {  	v40 =	vand.u32 $0xFFFF0000, v48;
	v47 =	vsub.f32 v24, v55;
	v3 =	vld.idx.msk [tilespmem:v0+s23+$0xE0 ss:$0x1], $0xffff  }
0x85: {  	v38 =	vand.u32 $0xFFFF0000, v49;
	v24 =	vmul.f32 v41, v45;
	v25 =	vadd.f32 v58, v31;
	v12 =	vld.idx.msk [tilespmem:v0+s24+$0xFFFFFE60 ss:$0x1], $0xffff  }
0x86: {  	v31 =	vshll.u32 v17, $0x10;
	v49 =	vsub.f32 v28, v21;
	v21 =	vmul.f32 v40, v47;
	v1 =	vld.idx.msk [tilespmem:v0+s24+$0xFFFFFF60 ss:$0x1], $0xffff  }
0x87: {  	v28 =	vld.idx.msk [tilespmem:v0+s22+$0x60 ss:$0x1], $0xffff;
	v61 =	vmul.f32 v38, v46;
	v50 =	vsub.f32 v29, v7;
	v7 =	vadd.f32 v8, v24  }
0x88: {  	v8 =	vmul.f32 v31, v49;
	v52 =	vsub.f32 v30, v13;
	v2 =	vld.idx.msk [tilespmem:v0+s24+$0xFFFFFEE0 ss:$0x1], $0xffff  }
0x89: {  	v34 =	vshll.u32 v14, $0x10;
	v21 =	vadd.f32 v25, v21;
	v24 =	vld.idx.msk [tilespmem:v0+s24+$0xFFFFFF70 ss:$0x1], $0xffff;
	v25 =	vadd.f32 v60, v61  }
0x8a: {  	v13 =	vld.idx.msk [tilespmem:v0+s22+$0xE0 ss:$0x1], $0xffff;
	v8 =	vadd.f32 v7, v8;
	v37 =	vshll.u32 v3, $0x10;
	v30 =	vmul.f32 v34, v52  }
0x8b: {  	s0 =	sadd.s32 $0xFFFFFFFC, s25;
	v33 =	vand.u32 $0xFFFF0000, v3;
	v3 =	vld.idx.msk [tilespmem:v0+s23+$0x70 ss:$0x1], $0xffff;
	v53 =	vsub.f32 v12, v16;
	v55 =	vsub.f32 v1, v15;
	v7, _, _ =	vpop (xrf2)  }
0x8c: {  	s15 =	sadd.s32 $0x7, s0;
	v32 =	vand.u32 $0xFFFF0000, v17;
	v16 =	vld.idx.msk [tilespmem:v0+s22+$0x160 ss:$0x1], $0xffff;
	v15 =	vadd.f32 v25, v30;
	v25 =	vadd.f32 $0.0e+00, v7  }
0x8d: {  	v12 =	vmul.f32 v37, v50;
	v54 =	vsub.f32 v2, v59;
	v2 =	vld.idx.msk [tilespmem:v0+s23+$0xF0 ss:$0x1], $0xffff;
	v7 =	vmov s15  }
0x8e: {  	v29 =	vand.u32 $0xFFFF0000, v14;
	v14 =	vmul.f32 v32, v53;
	v1 =	vld.idx.msk [tilespmem:v0+s23+$0x170 ss:$0x1], $0xffff;
	[tilespmem:$0x1FFC0] =	vst v7;
	v7 =	vbroadcast v25, $0xF  }
0x8f: {  	v12 =	vadd.f32 v21, v12;
	v21 =	vsub.f32 v63, v28;
	v17 =	vmul.f32 v33, v54  }
0x90: {  	s14 =	sadd.s32 $0x4, s0;
	v35 =	vshll.u32 v3, $0x10;
	v57 =	vadd.f32 v8, v14;
	v14 =	vmul.f32 v29, v55;
	v58 =	vld.idx.msk [tilespmem:v0+s22+$0x70 ss:$0x1], $0xffff;
	[tilespmem:$0x1FFD0] =	vst v7  }
0x91: {  	v59 =	vmov s14;
	v63 =	vmul.f32 v35, v21;
	v24 =	vsub.f32 v24, v16;
	v48 =	vld.idx.msk [tilespmem:v0+s24+$0xFFFFFF00 ss:$0x1], $0xffff  }
0x92: {  	v17 =	vadd.f32 v12, v17;
	v28 =	vshll.u32 v2, $0x10;
	v51 =	vadd.f32 v15, v14;
	v15 =	vld.idx.msk [tilespmem:v0+s22+$0xF0 ss:$0x1], $0xffff  }
0x93: {  	v14 =	vand.u32 $0xFFFF0000, v2;
	v30 =	vshll.u32 v1, $0x10;
	v25 =	vsub.f32 v62, v13;
	v62 =	vld.idx.msk [tilespmem:v0+s24+$0xFFFFFF80 ss:$0x1], $0xffff  }
0x94: {  	v12 =	vand.u32 $0xFFFF0000, v1;
	v1 =	vadd.f32 v57, v63;
	s15 =	sadd.s32 $0x5, s0;
	v13 =	vand.u32 $0xFFFF0000, v3;
	v3 =	vld.idx.msk [tilespmem:v0+s22+$0x170 ss:$0x1], $0xffff  }
0x95: {  	s0 =	sadd.s32 $0x6, s0;
	v60 =	vmov s15;
	v2 =	vmul.f32 v28, v25;
	v16 =	vld.idx.msk [tilespmem:v0+s23+$0x0 ss:$0x1], $0xffff;
	v56 =	vsub.f32 v56, v58  }
0x96: {  	v57 =	vand.u32 $0xFFFFFFFC, v59;
	v61 =	vmov s0;
	v8 =	vand.u32 $0xFFFFFFFD, v60;
	v59 =	vld.idx.msk [tilespmem:v0+s23+$0x80 ss:$0x1], $0xffff  }
0x97: {  	v60 =	vld.idx.msk [tilespmem:v0+s23+$0x100 ss:$0x1], $0xffff;
	v58 =	vadd.f32 v17, v2;
	v2 =	vand.u32 $0xFFFFFFFE, v61;
	v63 =	vmul.f32 v13, v56  }
0x98: {  	[tilespmem:$0x1FF20] =	vst v2;
	v15 =	vsub.f32 v48, v15;
	v48 =	vmul.f32 v30, v24  }
0x99: {  	v62 =	vsub.f32 v62, v3;
	v61 =	vadd.f32 v1, v63;
	v63 =	vld.idx.msk [tilespmem:v0+s23+$0x90 ss:$0x1], $0xffff;
	v1 =	vbroadcast v57, $0x0  }
0x9a: {  	v2 =	vshll.u32 v16, $0x10;
	v16 =	vand.u32 $0xFFFF0000, v16;
	v48 =	vadd.f32 v51, v48;
	v51 =	vld.idx.msk [tilespmem:v0+s23+$0x10 ss:$0x1], $0xffff  }
0x9b: {  	v2 =	vadd.f32 v2, v26;
	v26 =	vshll.u32 v59, $0x10;
	v17 =	vmul.f32 v14, v15;
	[tilespmem:$0x1FEB0] =	vst v1  }
0x9c: {  	v59 =	vand.u32 $0xFFFF0000, v59;
	v16 =	vadd.f32 v16, v22;
	v22 =	vshll.u32 v60, $0x10;
	(xrf2) =	vadd.scan.msk.f32 $0xffff, v61;
	v57 =	vld.idx.msk [tilespmem:v0+s23+$0x110 ss:$0x1], $0xffff  }
0x9d: {  	v23 =	vadd.f32 v26, v23;
	v17 =	vadd.f32 v58, v17;
	v58 =	vmul.f32 v12, v62;
	v26 =	vld.idx.msk [tilespmem:v0+s23+$0xA0 ss:$0x1], $0xffff  }
0x9e: {  	v60 =	vand.u32 $0xFFFF0000, v60;
	v59 =	vadd.f32 v59, v20;
	v3 =	vadd.f32 v22, v19;
	v61 =	vld.idx.msk [tilespmem:v0+s23+$0x120 ss:$0x1], $0xffff  }
0x9f: {  	v48 =	vadd.f32 v48, v58;
	(xrf2) =	vadd.scan.msk.f32 $0xffff, v17;
	v19 =	vshll.u32 v63, $0x10;
	v17 =	vshll.u32 v51, $0x10  }
0xa0: {  	v58 =	vld.idx.msk [tilespmem:v0+s23+$0x20 ss:$0x1], $0xffff;
	v22 =	vand.u32 $0xFFFF0000, v51;
	v42 =	vadd.f32 v19, v42;
	v17 =	vadd.f32 v17, v43  }
0xa1: {  	v19 =	vand.u32 $0xFFFF0000, v63;
	v43 =	vadd.f32 v60, v18;
	v45 =	vadd.f32 v22, v45  }
0xa2: {  	v18 =	vld.idx.msk [tilespmem:v0+s23+$0x30 ss:$0x1], $0xffff;
	v47 =	vadd.f32 v19, v47;
	v20 =	vshll.u32 v57, $0x10;
	v19 =	vand.u32 $0xFFFF0000, v57  }
0xa3: {  	v22 =	vld.idx.msk [tilespmem:v0+s23+$0x130 ss:$0x1], $0xffff;
	v57 =	vshll.u32 v26, $0x10;
	v46 =	vadd.f32 v19, v46;
	v19 =	vshll.u32 v61, $0x10  }
0xa4: {  	v26 =	vand.u32 $0xFFFF0000, v26;
	v60 =	vand.u32 $0xFFFF0000, v61;
	v44 =	vadd.f32 v20, v44  }
0xa5: {  	v26 =	vadd.f32 v26, v54;
	v63 =	vshll.u32 v58, $0x10;
	v51 =	vadd.f32 v19, v52  }
0xa6: {  	(xrf2) =	vadd.scan.msk.f32 $0xffff, v48;
	v20 =	vld.idx.msk [tilespmem:v0+s23+$0xB0 ss:$0x1], $0xffff;
	v58 =	vand.u32 $0xFFFF0000, v58;
	v52 =	vadd.f32 v60, v55;
	v48 =	vadd.f32 v63, v49;
	v19, _, _ =	vpop (xrf2)  }
0xa7: {  	v49 =	vadd.f32 v57, v50;
	v50 =	vadd.f32 v58, v53;
	v19 =	vbroadcast v19, $0xF  }
0xa8: {  	v53 =	vshll.u32 v18, $0x10;
	v57 =	vshll.u32 v22, $0x10;
	v22 =	vand.u32 $0xFFFF0000, v22  }
0xa9: {  	s31 =	sadd.s32 $0x200, s24;
	v21 =	vadd.f32 v53, v21;
	v24 =	vadd.f32 v57, v24;
	v61 =	vmul.f32 v10, v19  }
0xaa: {  	s28 =	sadd.s32 $0x200, s22;
	v54 =	vld.idx.msk [tilespmem:v0+s31+$0xFFFFFFE0 ss:$0x1], $0xffff;
	v22 =	vadd.f32 v22, v62;
	v11 =	vmul.f32 v11, v19;
	v39 =	vmul.f32 v39, v19  }
0xab: {  	v60 =	vld.idx.msk [tilespmem:v0+s28+$0x190 ss:$0x1], $0xffff;
	v55 =	vshll.u32 v20, $0x10;
	v10, _, _ =	vpop (xrf2);
	v31 =	vmul.f32 v31, v19;
	v32 =	vmul.f32 v32, v19  }
0xac: {  	v58 =	vld.idx.msk [tilespmem:v0+s31+$0xFFFFFFC0 ss:$0x1], $0xffff;
	v35 =	vmul.f32 v35, v19;
	v25 =	vadd.f32 v55, v25;
	v10 =	vbroadcast v10, $0xF  }
0xad: {  	v55 =	vld.idx.msk [tilespmem:v0+s28+$0x100 ss:$0x1], $0xffff;
	v2 =	vsub.f32 v2, v61;
	v11 =	vsub.f32 v16, v11;
	v16 =	vmul.f32 v41, v19  }
0xae: {  	v41 =	vld.idx.msk [tilespmem:v0+s31+$0x0 ss:$0x1], $0xffff;
	v17 =	vsub.f32 v17, v39;
	v6 =	vmul.f32 v6, v10;
	v63 =	vmul.f32 v9, v10  }
0xaf: {  	v39 =	vld.idx.msk [tilespmem:v0+s31+$0xFFFFFFB0 ss:$0x1], $0xffff;
	v31 =	vsub.f32 v48, v31;
	v36 =	vmul.f32 v36, v10;
	v40 =	vmul.f32 v40, v10  }
0xb0: {  	v61 =	vld.idx.msk [tilespmem:v0+s28+$0x1A0 ss:$0x1], $0xffff;
	v21 =	vsub.f32 v21, v35;
	v9, _, _ =	vpop (xrf2);
	v37 =	vmul.f32 v37, v10;
	v33 =	vmul.f32 v33, v10  }
0xb1: {  	v48 =	vld.idx.msk [tilespmem:v0+s31+$0xFFFFFF20 ss:$0x1], $0xffff;
	v28 =	vmul.f32 v28, v10;
	v2 =	vand.u32 $0x7FFFFFFF, v2;
	v9 =	vbroadcast v9, $0xF  }
0xb2: {  	v11 =	vand.u32 $0x7FFFFFFF, v11;
	v16 =	vsub.f32 v45, v16;
	v45 =	vld.idx.msk [tilespmem:v0+s28+$0x1D0 ss:$0x1], $0xffff;
	v6 =	vsub.f32 v23, v6  }
0xb3: {  	v17 =	vand.u32 $0x7FFFFFFF, v17;
	v23 =	vsub.f32 v59, v63;
	v36 =	vsub.f32 v42, v36;
	v42 =	vld.idx.msk [tilespmem:v0+s31+$0xFFFFFF90 ss:$0x1], $0xffff  }
0xb4: {  	v31 =	vand.u32 $0x7FFFFFFF, v31;
	v59 =	vld.idx.msk [tilespmem:v0+s28+$0x180 ss:$0x1], $0xffff;
	v2 =	vadd.f32 v11, v2;
	v40 =	vsub.f32 v47, v40  }
0xb5: {  	v37 =	vsub.f32 v49, v37;
	v25 =	vsub.f32 v25, v28;
	v28 =	vld.idx.msk [tilespmem:v0+s31+$0xFFFFFE30 ss:$0x1], $0xffff;
	v4 =	vmul.f32 v4, v9  }
0xb6: {  	s29 =	sadd.s32 $0x200, s23;
	v5 =	vmul.f32 v5, v9;
	v2 =	vadd.f32 v2, v17;
	v17 =	vmul.f32 v34, v9;
	v34 =	vld.idx.msk [tilespmem:v0+s31+$0xFFFFFFD0 ss:$0x1], $0xffff  }
0xb7: {  	v27 =	vmul.f32 v27, v9;
	v16 =	vand.u32 $0x7FFFFFFF, v16;
	v63 =	vand.u32 $0x7FFFFFFF, v40;
	v40 =	vld.idx.msk [tilespmem:v0+s29+$0x1E0 ss:$0x1], $0xffff  }
0xb8: {  	v6 =	vand.u32 $0x7FFFFFFF, v6;
	v23 =	vand.u32 $0x7FFFFFFF, v23;
	v43 =	vsub.f32 v43, v5;
	v5 =	vld.idx.msk [tilespmem:v0+s31+$0xFFFFFFA0 ss:$0x1], $0xffff  }
0xb9: {  	v36 =	vand.u32 $0x7FFFFFFF, v36;
	v39 =	vsub.f32 v39, v61;
	v6 =	vadd.f32 v23, v6;
	v23 =	vld.idx.msk [tilespmem:v0+s29+$0x1C0 ss:$0x1], $0xffff  }
0xba: {  	v3 =	vsub.f32 v3, v4;
	v11 =	vsub.f32 v44, v27;
	v27 =	vmul.f32 v38, v9;
	v44 =	vld.idx.msk [tilespmem:v0+s28+$0x1B0 ss:$0x1], $0xffff  }
0xbb: {  	v17 =	vsub.f32 v51, v17;
	v2 =	vadd.f32 v2, v16;
	v16 =	vmul.f32 v29, v9;
	v29 =	vld.idx.msk [tilespmem:v0+s31+$0xFFFFFFF0 ss:$0x1], $0xffff  }
0xbc: {  	v45 =	vsub.f32 v54, v45;
	v54 =	vld.idx.msk [tilespmem:v0+s31+$0xFFFFFEA0 ss:$0x1], $0xffff;
	v3 =	vand.u32 $0x7FFFFFFF, v3;
	v4 =	vand.u32 $0x7FFFFFFF, v43  }
0xbd: {  	v11 =	vand.u32 $0x7FFFFFFF, v11;
	v43 =	vld.idx.msk [tilespmem:v0+s29+$0x1D0 ss:$0x1], $0xffff;
	v27 =	vsub.f32 v46, v27;
	v6 =	vadd.f32 v6, v36  }
0xbe: {  	v42 =	vsub.f32 v42, v59;
	v36 =	vand.u32 $0x7FFFFFFF, v37;
	v37 =	vld.idx.msk [tilespmem:v0+s29+$0x1F0 ss:$0x1], $0xffff;
	v3 =	vadd.f32 v4, v3  }
0xbf: {  	v17 =	vand.u32 $0x7FFFFFFF, v17;
	v16 =	vsub.f32 v52, v16;
	v52 =	vld.idx.msk [tilespmem:v0+s28+$0x80 ss:$0x1], $0xffff;
	v38 =	vsub.f32 v5, v60  }
0xc0: {  	v3 =	vadd.f32 v3, v11;
	v11 =	vld.idx.msk [tilespmem:v0+s28+$0x1C0 ss:$0x1], $0xffff;
	v46 =	vshll.u32 v23, $0x10;
	v23 =	vand.u32 $0xFFFF0000, v23  }
0xc1: {  	v2 =	vadd.f32 v2, v31;
	v31 =	vld.idx.msk [tilespmem:v0+s28+$0x110 ss:$0x1], $0xffff;
	v60 =	vmul.f32 v46, v42;
	v61 =	vmul.f32 v23, v38  }
0xc2: {  	v27 =	vand.u32 $0x7FFFFFFF, v27;
	v6 =	vadd.f32 v6, v63;
	v63 =	vld.idx.msk [tilespmem:v0+s28+$0x1F0 ss:$0x1], $0xffff;
	v49 =	vshll.u32 v43, $0x10  }
0xc3: {  	v5 =	vld.idx.msk [tilespmem:v0+s28+$0x1E0 ss:$0x1], $0xffff;
	v44 =	vsub.f32 v58, v44;
	v59 =	vmul.f32 v49, v39;
	v4 =	vadd.f32 v61, v60  }
0xc4: {  	v58 =	vld.idx.msk [tilespmem:v0+s28+$0x90 ss:$0x1], $0xffff;
	v3 =	vadd.f32 v3, v27;
	v27 =	vsub.f32 v50, v32;
	v43 =	vand.u32 $0xFFFF0000, v43  }
0xc5: {  	v32 =	vld.idx.msk [tilespmem:v0+s28+$0x0 ss:$0x1], $0xffff;
	v51 =	vsub.f32 v34, v11;
	v11 =	vmul.f32 v43, v44;
	v4 =	vadd.f32 v59, v4  }
0xc6: {  	v47 =	vshll.u32 v40, $0x10;
	v40 =	vand.u32 $0xFFFF0000, v40;
	v50 =	vld.idx.msk [tilespmem:v0+s31+$0xFFFFFE20 ss:$0x1], $0xffff;
	v53 =	vshll.u32 v37, $0x10  }
0xc7: {  	v57 =	vand.u32 $0xFFFF0000, v37;
	v60 =	vld.idx.msk [tilespmem:v0+s28+$0x10 ss:$0x1], $0xffff;
	v4 =	vadd.f32 v4, v11;
	v11 =	vmul.f32 v47, v51  }
0xc8: {  	v37 =	vld.idx.msk [tilespmem:v0+s31+$0xFFFFFE10 ss:$0x1], $0xffff;
	v61 =	vmul.f32 v40, v45;
	v3 =	vadd.f32 v3, v17;
	v17 =	vand.u32 $0xFFFF0000, v18  }
0xc9: {  	v18 =	vand.u32 $0xFFFF0000, v20;
	v20 =	vld.idx.msk [tilespmem:v0+s29+$0x40 ss:$0x1], $0xffff;
	v29 =	vsub.f32 v29, v5;
	v4 =	vadd.f32 v4, v11  }
0xca: {  	v26 =	vsub.f32 v26, v33;
	v41 =	vsub.f32 v41, v63;
	v34 =	vld.idx.msk [tilespmem:v0+s31+$0xFFFFFE90 ss:$0x1], $0xffff  }
0xcb: {  	v15 =	vadd.f32 v18, v15;
	v18 =	vld.idx.msk [tilespmem:v0+s29+$0x190 ss:$0x1], $0xffff;
	v63 =	vmul.f32 v53, v29;
	v4 =	vadd.f32 v4, v61  }
0xcc: {  	v30 =	vmul.f32 v30, v9;
	v9 =	vmul.f32 v12, v9;
	v5 =	vsub.f32 v50, v60;
	v60 =	vld.idx.msk [tilespmem:v0+s29+$0x140 ss:$0x1], $0xffff  }
0xcd: {  	v59 =	vmul.f32 v57, v41;
	v50 =	vld.idx.msk [tilespmem:v0+s31+$0xFFFFFEB0 ss:$0x1], $0xffff;
	v4 =	vadd.f32 v4, v63  }
0xce: {  	v21 =	vand.u32 $0x7FFFFFFF, v21;
	v26 =	vand.u32 $0x7FFFFFFF, v26;
	v9 =	vsub.f32 v22, v9;
	v11 =	vld.idx.msk [tilespmem:v0+s31+$0xFFFFFF10 ss:$0x1], $0xffff  }
0xcf: {  	v16 =	vand.u32 $0x7FFFFFFF, v16;
	v36 =	vadd.f32 v6, v36;
	v4 =	vadd.f32 v4, v59;
	v59 =	vld.idx.msk [tilespmem:v0+s29+$0xC0 ss:$0x1], $0xffff  }
0xd0: {  	v17 =	vadd.f32 v17, v56;
	v6 =	vsub.f32 v34, v52;
	v61 =	vmul.f32 v13, v19;
	v19 =	vld.idx.msk [tilespmem:v0+s29+$0x180 ss:$0x1], $0xffff  }
0xd1: {  	v27 =	vand.u32 $0x7FFFFFFF, v27;
	v34 =	vsub.f32 v54, v58;
	v13 =	vsub.f32 v24, v30;
	v30 =	vld.idx.msk [tilespmem:v0+s28+$0x20 ss:$0x1], $0xffff;
	(xrf2) =	vadd.scan.msk.f32 $0xffff, v4  }
0xd2: {  	v58 =	vshll.u32 v20, $0x10;
	v24 =	vmul.f32 v14, v10;
	v10 =	vadd.f32 v3, v16;
	v3 =	vld.idx.msk [tilespmem:v0+s28+$0xA0 ss:$0x1], $0xffff  }
0xd3: {  	v26 =	vadd.f32 v36, v26;
	v2 =	vadd.f32 v2, v27;
	v1 =	vand.u32 $0xFFFF0000, v20;
	v16 =	vld.idx.msk [tilespmem:v0+s29+$0x1A0 ss:$0x1], $0xffff;
	[tilespmem:$0x1FF60] =	vst v58  }
0xd4: {  	v37 =	vsub.f32 v37, v32;
	v14 =	vsub.f32 v17, v61;
	v17 =	vld.idx.msk [tilespmem:v0+s31+$0xFFFFFF30 ss:$0x1], $0xffff;
	[tilespmem:$0x1FF70] =	vst v1;
	v7 =	vshll.u32 v59, $0x10  }
0xd5: {  	v63 =	vand.u32 $0x7FFFFFFF, v25;
	v12 =	vand.u32 $0x7FFFFFFF, v13;
	v20 =	vld.idx.msk [tilespmem:v0+s28+$0x120 ss:$0x1], $0xffff;
	v25 =	vand.u32 $0xFFFF0000, v59;
	[tilespmem:$0x1FF80] =	vst v7  }
0xd6: {  	v13 =	vadd.f32 v2, v21;
	v21 =	vmul.f32 v1, v5;
	v1 =	vshll.u32 v60, $0x10;
	[tilespmem:$0x1FF90] =	vst v25  }
0xd7: {  	v62 =	vshll.u32 v18, $0x10;
	v18 =	vand.u32 $0xFFFF0000, v18;
	v60 =	vand.u32 $0xFFFF0000, v60;
	v22 =	vld.idx.msk [tilespmem:v0+s29+$0x50 ss:$0x1], $0xffff;
	[tilespmem:$0x1FFE0] =	vst v1  }
0xd8: {  	v36 =	vsub.f32 v48, v31;
	v18 =	vadd.f32 v18, v44;
	v2 =	vmul.f32 v58, v37;
	[tilespmem:$0x1FFF0] =	vst v60  }
0xd9: {  	v9 =	vand.u32 $0x7FFFFFFF, v9;
	v35 =	vsub.f32 v11, v55;
	v11 =	vsub.f32 v15, v24;
	v48 =	vld.idx.msk [tilespmem:v0+s29+$0x1B0 ss:$0x1], $0xffff  }
0xda: {  	v2 =	vadd.f32 v21, v2;
	v61 =	vshll.u32 v19, $0x10;
	v19 =	vand.u32 $0xFFFF0000, v19;
	v58 =	vld.idx.msk [tilespmem:v0+s29+$0xD0 ss:$0x1], $0xffff  }
0xdb: {  	v33 =	vshll.u32 v16, $0x10;
	v16 =	vand.u32 $0xFFFF0000, v16;
	v11 =	vand.u32 $0x7FFFFFFF, v11;
	v52 =	vld.idx.msk [tilespmem:v0+s29+$0x150 ss:$0x1], $0xffff;
	v15, _, _ =	vpop (xrf2)  }
0xdc: {  	v42 =	vadd.f32 v61, v42;
	v24 =	vmul.f32 v7, v6;
	v59 =	vld.idx.msk [tilespmem:v0+s31+$0xFFFFFE40 ss:$0x1], $0xffff;
	v56 =	vbroadcast v15, $0xF  }
0xdd: {  	v54 =	vmul.f32 v25, v34;
	v55 =	vld.idx.msk [tilespmem:v0+s28+$0x30 ss:$0x1], $0xffff;
	v15 =	vadd.f32 v26, v63;
	v26 =	vmul.f32 v1, v35  }
0xde: {  	v19 =	vadd.f32 v19, v38;
	v61 =	vld.idx.msk [tilespmem:v0+s31+$0xFFFFFE50 ss:$0x1], $0xffff;
	v46 =	vmul.f32 v46, v56;
	v23 =	vmul.f32 v23, v56  }
0xdf: {  	v63 =	vadd.f32 v62, v39;
	v62 =	vld.idx.msk [tilespmem:v0+s28+$0x40 ss:$0x1], $0xffff;
	v32 =	vmul.f32 v49, v56;
	v49 =	vmul.f32 v60, v36  }
0xe0: {  	v16 =	vadd.f32 v16, v45;
	v43 =	vmul.f32 v43, v56;
	v60 =	vld.idx.msk [tilespmem:v0+s31+$0xFFFFFF40 ss:$0x1], $0xffff;
	v4 =	vmul.f32 v47, v56  }
0xe1: {  	v47 =	vmul.f32 v53, v56;
	v53 =	vld.idx.msk [tilespmem:v0+s28+$0x140 ss:$0x1], $0xffff;
	v39 =	vsub.f32 v42, v46;
	v19 =	vsub.f32 v19, v23  }
0xe2: {  	v44 =	vand.u32 $0xFFFF0000, v48;
	v46 =	vld.idx.msk [tilespmem:v0+s31+$0xFFFFFEC0 ss:$0x1], $0xffff;
	v38 =	vsub.f32 v63, v32;
	v42 =	vadd.f32 v33, v51  }
0xe3: {  	v23 =	vld.idx.msk [tilespmem:v0+s28+$0xB0 ss:$0x1], $0xffff;
	v18 =	vsub.f32 v18, v43;
	v39 =	vand.u32 $0x7FFFFFFF, v39;
	v19 =	vand.u32 $0x7FFFFFFF, v19  }
0xe4: {  	v51 =	vld.idx.msk [tilespmem:v0+s28+$0x130 ss:$0x1], $0xffff;
	v32 =	vshll.u32 v48, $0x10;
	v33 =	vmul.f32 v40, v56;
	v19 =	vadd.f32 v19, v39  }
0xe5: {  	v63 =	vld.idx.msk [tilespmem:v0+s31+$0xFFFFFED0 ss:$0x1], $0xffff;
	v40 =	vadd.f32 v44, v41;
	v29 =	vadd.f32 v32, v29;
	v38 =	vand.u32 $0x7FFFFFFF, v38  }
0xe6: {  	v7 =	vshll.u32 v58, $0x10;
	v39 =	vsub.f32 v42, v4;
	v42 =	vld.idx.msk [tilespmem:v0+s28+$0xC0 ss:$0x1], $0xffff;
	v19 =	vadd.f32 v19, v38  }
0xe7: {  	v43 =	vld.idx.msk [tilespmem:v0+s29+$0x60 ss:$0x1], $0xffff;
	v41 =	vsub.f32 v28, v30;
	v18 =	vand.u32 $0x7FFFFFFF, v18;
	v16 =	vsub.f32 v16, v33  }
0xe8: {  	v57 =	vmul.f32 v57, v56;
	v28 =	vld.idx.msk [tilespmem:v0+s29+$0xE0 ss:$0x1], $0xffff;
	v29 =	vsub.f32 v29, v47;
	v18 =	vadd.f32 v19, v18  }
0xe9: {  	v45 =	vand.u32 $0x7FFFFFFF, v39;
	v38 =	vsub.f32 v50, v3;
	v46 =	vsub.f32 v46, v23;
	v19 =	vld.idx.msk [tilespmem:v0+s31+$0xFFFFFF50 ss:$0x1], $0xffff;
	[tilespmem:$0x1FFB0] =	vst v7  }
0xea: {  	v48 =	vshll.u32 v22, $0x10;
	v47 =	vsub.f32 v60, v51;
	v4 =	vld.idx.msk [tilespmem:v0+s29+$0x160 ss:$0x1], $0xffff;
	v18 =	vadd.f32 v18, v45  }
0xeb: {  	v16 =	vand.u32 $0x7FFFFFFF, v16;
	v50 =	vsub.f32 v61, v62;
	v1 =	vld.idx.msk [tilespmem:v0+s31+$0xFFFFFE60 ss:$0x1], $0xffff;
	v42 =	vsub.f32 v63, v42  }
0xec: {  	v44 =	vshll.u32 v52, $0x10;
	v51 =	vld.idx.msk [tilespmem:v0+s31+$0xFFFFFE70 ss:$0x1], $0xffff;
	v45 =	vsub.f32 v59, v55;
	v16 =	vadd.f32 v18, v16  }
0xed: {  	v56 =	vld.idx.msk [tilespmem:v0+s31+$0xFFFFFF70 ss:$0x1], $0xffff;
	v18 =	vand.u32 $0x7FFFFFFF, v29;
	v29 =	vsub.f32 v40, v57;
	v40 =	vsub.f32 v17, v20  }
0xee: {  	v55 =	vand.u32 $0xFFFF0000, v22;
	v22 =	vld.idx.msk [tilespmem:v0+s28+$0x150 ss:$0x1], $0xffff;
	v20 =	vadd.f32 v54, v24;
	v24 =	vadd.f32 v49, v26  }
0xef: {  	v26 =	vmul.f32 v48, v41;
	v54 =	vld.idx.msk [tilespmem:v0+s31+$0xFFFFFF60 ss:$0x1], $0xffff;
	v23 =	vmul.f32 v55, v45;
	v53 =	vsub.f32 v19, v53  }
0xf0: {  	v60 =	vld.idx.msk [tilespmem:v0+s29+$0x70 ss:$0x1], $0xffff;
	v19 =	vshll.u32 v28, $0x10;
	v16 =	vadd.f32 v16, v18;
	v21 =	vand.u32 $0x7FFFFFFF, v29  }
0xf1: {  	v18 =	vld.idx.msk [tilespmem:v0+s28+$0x50 ss:$0x1], $0xffff;
	v32 =	vmul.f32 v44, v40;
	v2 =	vadd.f32 v26, v2;
	v26 =	vand.u32 $0xFFFF0000, v58  }
0xf2: {  	v49 =	vld.idx.msk [tilespmem:v0+s28+$0xD0 ss:$0x1], $0xffff;
	v17 =	vshll.u32 v4, $0x10;
	v33 =	vmul.f32 v26, v46;
	v30 =	vadd.f32 v16, v21  }
0xf3: {  	v29 =	vld.idx.msk [tilespmem:v0+s31+$0xFFFFFEE0 ss:$0x1], $0xffff;
	v16 =	vmul.f32 v7, v38;
	v21 =	vand.u32 $0xFFFF0000, v52;
	v24 =	vadd.f32 v32, v24  }
0xf4: {  	v59 =	vld.idx.msk [tilespmem:v0+s28+$0xE0 ss:$0x1], $0xffff;
	v2 =	vadd.f32 v2, v23;
	v39 =	vmul.f32 v21, v47;
	v54 =	vsub.f32 v54, v22  }
0xf5: {  	v57 =	vld.idx.msk [tilespmem:v0+s28+$0x160 ss:$0x1], $0xffff;
	v22 =	vand.u32 $0xFFFF0000, v4;
	v20 =	vadd.f32 v16, v20;
	v16 =	vshll.u32 v43, $0x10  }
0xf6: {  	v52 =	vld.idx.msk [tilespmem:v0+s28+$0x60 ss:$0x1], $0xffff;
	v32 =	vmul.f32 v16, v50;
	v24 =	vadd.f32 v24, v39;
	v62 =	vsub.f32 v1, v18  }
0xf7: {  	v58 =	vld.idx.msk [tilespmem:v0+s31+$0xFFFFFEF0 ss:$0x1], $0xffff;
	v39 =	vmul.f32 v17, v53;
	v1 =	vand.u32 $0xFFFF0000, v43;
	v18 =	vand.u32 $0xFFFF0000, v28  }
0xf8: {  	v31 =	vsub.f32 v29, v49;
	v49 =	vld.idx.msk [tilespmem:v0+s29+$0xF0 ss:$0x1], $0xffff;
	v29 =	vand.u32 $0x7FFFFFFF, v14;
	v20 =	vadd.f32 v20, v33;
	[tilespmem:$0x1FEC0] =	vst v1  }
0xf9: {  	v33 =	vmul.f32 v19, v42;
	v2 =	vadd.f32 v2, v32;
	v28 =	vmul.f32 v1, v62;
	v3 =	vld.idx.msk [tilespmem:v0+s31+$0xFFFFFE80 ss:$0x1], $0xffff  }
0xfa: {  	v24 =	vadd.f32 v24, v39;
	v43 =	vmul.f32 v18, v31;
	v32 =	vadd.f32 v10, v12;
	v12 =	vld.idx.msk [tilespmem:v0+s28+$0x70 ss:$0x1], $0xffff  }
0xfb: {  	v61 =	vld.idx.msk [tilespmem:v0+s29+$0x170 ss:$0x1], $0xffff;
	v14 =	vsub.f32 v51, v52;
	v10 =	vmul.f32 v22, v54;
	v20 =	vadd.f32 v20, v33  }
0xfc: {  	v39 =	vadd.f32 v13, v29;
	v13 =	vld.idx.msk [tilespmem:v0+s28+$0xF0 ss:$0x1], $0xffff;
	v29 =	vshll.u32 v60, $0x10;
	v2 =	vadd.f32 v2, v28  }
0xfd: {  	v1 =	vand.u32 $0xFFFF0000, v60;
	v33 =	vld.idx.msk [tilespmem:v0+s31+$0xFFFFFF00 ss:$0x1], $0xffff;
	v51 =	vadd.f32 v20, v43;
	v20 =	vsub.f32 v58, v59  }
0xfe: {  	(xrf2) =	vadd.scan.msk.f32 $0xffff, v30;
	v4 =	vadd.f32 v32, v9;
	v59 =	vadd.f32 v15, v11;
	v15 =	vld.idx.msk [tilespmem:v0+s31+$0xFFFFFF80 ss:$0x1], $0xffff;
	v28 =	vshll.u32 v49, $0x10  }
0xff: {  	v30 =	vmul.f32 v29, v14;
	v43 =	vld.idx.msk [tilespmem:v0+s28+$0x170 ss:$0x1], $0xffff;
	v60 =	vmul.f32 v28, v20;
	v9 =	vsub.f32 v3, v12  }
0x100: {  	v58 =	vadd.f32 v24, v10;
	v24 =	vsub.f32 v56, v57;
	v7 =	vand.u32 $0xFFFF0000, v49;
	v57 =	vld.idx.msk [tilespmem:v0+s29+$0x0 ss:$0x1], $0xffff  }
0x101: {  	v49 =	vadd.f32 v51, v60;
	v51 =	vld.idx.msk [tilespmem:v0+s29+$0x80 ss:$0x1], $0xffff;
	[tilespmem:$0x1FED0] =	vst v1;
	v60 =	vmul.f32 v1, v9;
	v1 =	vbroadcast v8, $0x0  }
0x102: {  	v3 =	vadd.f32 v2, v30;
	v30 =	vshll.u32 v61, $0x10;
	[tilespmem:$0x1FEE0] =	vst v9  }
0x103: {  	v13 =	vsub.f32 v33, v13;
	v33 =	vmul.f32 v30, v24;
	[tilespmem:$0x1FEF0] =	vst v1  }
0x104: {  	(xrf2) =	vadd.scan.msk.f32 $0xffff, v39;
	v8 =	vld.idx.msk [tilespmem:v0+s29+$0x100 ss:$0x1], $0xffff;
	[tilespmem:$0x1FF00] =	vst v7  }
0x105: {  	(xrf2) =	vadd.scan.msk.f32 $0xffff, v59;
	v15 =	vsub.f32 v15, v43;
	v52 =	vadd.f32 v58, v33;
	v58 =	vld.idx.msk [tilespmem:v0+s29+$0x10 ss:$0x1], $0xffff  }
0x106: {  	(xrf2) =	vadd.scan.msk.f32 $0xffff, v4;
	v1 =	vand.u32 $0xFFFF0000, v61;
	v4 =	vld.idx.msk [tilespmem:v0+s29+$0x90 ss:$0x1], $0xffff  }
0x107: {  	v33 =	vmul.f32 v1, v15;
	[tilespmem:$0x1FF10] =	vst v1;
	v1 =	vld [tilespmem:$0x1FF20];
	_ =	sdelay $0x1  }
0x108: {  	v3 =	vadd.f32 v3, v60;
	_ =	sdelay $0x1  }
0x109: {  	(xrf2) =	vadd.scan.msk.f32 $0xffff, v3  }
0x10a: {  	v1 =	vbroadcast v1, $0x0;
	_ =	sdelay $0x1  }
0x10b: {  	v39 =	vmul.f32 v7, v13;
	v43, _, _ =	vpop (xrf2);
	v32 =	vshll.u32 v57, $0x10;
	[tilespmem:$0x1FF30] =	vst v1  }
0x10c: {  	v59 =	vadd.f32 $0.0e+00, v43;
	v56 =	vadd.f32 v32, v37;
	v43 =	vshll.u32 v51, $0x10;
	v37 =	vld.idx.msk [tilespmem:v0+s29+$0x110 ss:$0x1], $0xffff  }
0x10d: {  	v51 =	vand.u32 $0xFFFF0000, v51;
	v61 =	vshll.u32 v8, $0x10;
	v63 =	vand.u32 $0xFFFF0000, v8;
	v8, _, _ =	vpop (xrf2);
	v7 =	vld.idx.msk [tilespmem:v0+s29+$0x20 ss:$0x1], $0xffff  }
0x10e: {  	v52 =	vadd.f32 v52, v33;
	v33 =	vadd.f32 v51, v34;
	v34 =	vld.idx.msk [tilespmem:v0+s29+$0xA0 ss:$0x1], $0xffff;
	v1, _, _ =	vpop (xrf2)  }
0x10f: {  	v57 =	vand.u32 $0xFFFF0000, v57;
	v60 =	vadd.f32 v61, v35;
	v35 =	vld.idx.msk [tilespmem:v0+s29+$0x120 ss:$0x1], $0xffff;
	v2, _, _ =	vpop (xrf2)  }
0x110: {  	v25 =	vadd.f32 v57, v5;
	v49 =	vadd.f32 v49, v39;
	[tilespmem:$0x1FF50] =	vst v2;
	v2 =	vld [tilespmem:$0x1FF60]  }
0x111: {  	v39 =	vadd.f32 v43, v6;
	v6 =	vshll.u32 v58, $0x10;
	v43 =	vand.u32 $0xFFFF0000, v58  }
0x112: {  	v27 =	vadd.f32 v6, v41;
	v58 =	vadd.f32 v43, v45;
	v43 =	vbroadcast v59, $0xF;
	v59, _, _ =	vpop (xrf2)  }
0x113: {  	[tilespmem:$0x1FF40] =	vst v1;
	v41 =	vshll.u32 v37, $0x10;
	v1 =	vand.u32 $0xFFFF0000, v37;
	v37 =	vbroadcast v59, $0xF  }
0x114: {  	(xrf2) =	vadd.scan.msk.f32 $0xffff, v49;
	v57 =	vadd.f32 v1, v47;
	v47 =	vshll.u32 v34, $0x10;
	v34 =	vand.u32 $0xFFFF0000, v34  }
0x115: {  	v49 =	vadd.f32 v34, v31;
	v31 =	vmul.f32 v2, v37;
	v2 =	vld [tilespmem:$0x1FF70];
	_ =	sdelay $0x2  }
0x116: {  	s0 =	sadd.s32 $0x0, s25;
	v1 =	vshll.u32 v7, $0x10  }
0x117: {  	s14 =	sadd.s32 $0x4, s0;
	v50 =	vadd.f32 v1, v50;
	v1 =	vshll.u32 v35, $0x10  }
0x118: {  	(xrf2) =	vadd.scan.msk.f32 $0xffff, v52;
	v52 =	vadd.f32 v1, v53;
	v1 =	vmov s14;
	v5 =	vmul.f32 v2, v37  }
0x119: {  	v1 =	vand.u32 $0xFFFFFFFC, v1  }
0x11a: {  	v45 =	vsub.f32 v56, v31;
	v56 =	vsub.f32 v25, v5;
	v25 =	vbroadcast v1, $0x0;
	v1 =	vld [tilespmem:$0x1FF80];
	_ =	sdelay $0x1  }
0x11b: {  	v6 =	vshll.u32 v4, $0x10;
	v4 =	vand.u32 $0xFFFF0000, v4;
	v31, _, _ =	vpop (xrf2)  }
0x11c: {  	v61 =	vadd.f32 v4, v46;
	v4 =	vand.u32 $0xFFFF0000, v35;
	v35 =	vbroadcast v31, $0xF;
	_ =	sdelay $0x1  }
0x11d: {  	s15 =	sadd.s32 $0x7, s0;
	v59 =	vmul.f32 v1, v35;
	v1 =	vld [tilespmem:$0x1FF90]  }
0x11e: {  	v3 =	vmov s15;
	v32 =	vadd.f32 v6, v38  }
0x11f: {  	s15 =	sadd.s32 $0x5, s0;
	v38 =	vadd.f32 v41, v40;
	v7 =	vand.u32 $0xFFFF0000, v7;
	v53 =	vmul.f32 v48, v37  }
0x120: {  	s0 =	sadd.s32 $0x6, s0;
	v51 =	vadd.f32 v47, v42;
	v47 =	vadd.f32 v7, v62;
	v7 =	vmov s15  }
0x121: {  	v41 =	vld.idx.msk [tilespmem:v0+s29+$0x30 ss:$0x1], $0xffff;
	v62 =	vmov s0;
	v7 =	vand.u32 $0xFFFFFFFD, v7;
	v46 =	vsub.f32 v27, v53  }
0x122: {  	v42 =	vld.idx.msk [tilespmem:v0+s29+$0xB0 ss:$0x1], $0xffff;
	v27 =	vand.u32 $0xFFFFFFFE, v62;
	v62 =	vmul.f32 v1, v35;
	v1 =	vbroadcast v7, $0x0  }
0x123: {  	v34 =	vld.idx.msk [tilespmem:v0+s29+$0x130 ss:$0x1], $0xffff  }
0x124: {  	[tilespmem:$0x1FFA0] =	vst v1;
	v1 =	vld [tilespmem:$0x1FFB0];
	_ =	sdelay $0x4  }
0x125: {  	v7 =	vmul.f32 v1, v35;
	v1 =	vld [tilespmem:$0x1FFC0];
	_ =	sdelay $0x2  }
0x126: {  	v2 =	vld [tilespmem:$0x1FFD0];
	_ =	sdelay $0x4  }
0x127: {  	[tilespmem:v1+s20+$0x0] =	vst.idx.msk $0x1, v2  }
0x128: {  	v1 =	vld [tilespmem:$0x1FFE0];
	_ =	sdelay $0x1  }
0x129: {  	v31 =	vadd.f32 $0.0e+00, v8;
	v8 =	vsub.f32 v39, v59;
	v59, _, _ =	vpop (xrf2)  }
0x12a: {  	v63 =	vadd.f32 v63, v36;
	v36 =	vbroadcast v59, $0xF;
	_ =	sdelay $0x1  }
0x12b: {  	v59 =	vmul.f32 v1, v36;
	v1 =	vld [tilespmem:$0x1FFF0]  }
0x12c: {  	v40 =	vadd.f32 v4, v54  }
0x12d: {  	v53 =	vmul.f32 v55, v37;
	v48 =	vshll.u32 v42, $0x10;
	v55 =	vand.u32 $0x7FFFFFFF, v45  }
0x12e: {  	v45 =	vshll.u32 v34, $0x10;
	v56 =	vand.u32 $0x7FFFFFFF, v56;
	v5 =	vsub.f32 v33, v62  }
0x12f: {  	v39 =	vshll.u32 v41, $0x10;
	v8 =	vand.u32 $0x7FFFFFFF, v8;
	v54 =	vsub.f32 v32, v7  }
0x130: {  	s30 =	simm.s32 $0x4;
	s31 =	sadd.s32 $0x200, s31;
	v32 =	vand.u32 $0x7FFFFFFF, v5;
	[tilespmem:v3+s20+$0x0] =	vst.idx.msk $0x1, v43;
	v43 =	vmul.f32 v44, v36;
	v33 =	vmul.f32 v1, v36  }
.LBB2_3:
0x131: {  	v7 =	vld.idx.msk [tilespmem:v0+s31+$0x0 ss:$0x1], $0xffff  }
0x132: {  	v44 =	vsub.f32 v60, v59;
	v59 =	vld.idx.msk [tilespmem:v0+s31+$0xFFFFFFE0 ss:$0x1], $0xffff  }
0x133: {  	v60 =	vld.idx.msk [tilespmem:v0+s31+$0xFFFFFFA0 ss:$0x1], $0xffff  }
0x134: {  	v1 =	vld [tilespmem:$0x1FEC0]  }
0x135: {  	v24 =	vadd.f32 v45, v24;
	v45 =	vld.idx.msk [tilespmem:v0+s31+$0xFFFFFE20 ss:$0x1], $0xffff  }
0x136: {  	s28 =	sadd.s32 $0x200, s28;
	v38 =	vsub.f32 v38, v43;
	v43 =	vld.idx.msk [tilespmem:v0+s31+$0xFFFFFFC0 ss:$0x1], $0xffff  }
0x137: {  	v55 =	vadd.f32 v56, v55;
	s29 =	sadd.s32 $0x200, s29;
	v56 =	vld.idx.msk [tilespmem:v0+s28+$0x180 ss:$0x1], $0xffff  }
0x138: {  	v26 =	vmul.f32 v26, v35;
	v21 =	vmul.f32 v21, v36;
	v62 =	vld.idx.msk [tilespmem:v0+s29+$0x1C0 ss:$0x1], $0xffff  }
0x139: {  	v8 =	vadd.f32 v32, v8;
	v46 =	vand.u32 $0x7FFFFFFF, v46;
	v33 =	vsub.f32 v63, v33;
	v63 =	vld.idx.msk [tilespmem:v0+s28+$0x1A0 ss:$0x1], $0xffff  }
0x13a: {  	v54 =	vand.u32 $0x7FFFFFFF, v54;
	v53 =	vsub.f32 v58, v53;
	v42 =	vand.u32 $0xFFFF0000, v42;
	v4 =	vld.idx.msk [tilespmem:v0+s28+$0x1B0 ss:$0x1], $0xffff  }
0x13b: {  	v16 =	vmul.f32 v16, v37;
	v11 =	vadd.f32 v42, v13;
	v42 =	vbroadcast v27, $0x0;
	v27 =	vld.idx.msk [tilespmem:v0+s29+$0x180 ss:$0x1], $0xffff  }
0x13c: {  	v23 =	vmul.f32 v19, v35;
	v39 =	vadd.f32 v39, v14;
	v5 =	vand.u32 $0x7FFFFFFF, v44;
	v44 =	vld.idx.msk [tilespmem:v0+s31+$0xFFFFFFB0 ss:$0x1], $0xffff  }
0x13d: {  	v22 =	vmul.f32 v22, v36;
	v48 =	vadd.f32 v48, v20;
	v26 =	vsub.f32 v61, v26;
	v61 =	vld.idx.msk [tilespmem:v0+s28+$0x190 ss:$0x1], $0xffff  }
0x13e: {  	v19 =	vmul.f32 v17, v36;
	v21 =	vsub.f32 v57, v21;
	v23 =	vsub.f32 v51, v23;
	v51 =	vld.idx.msk [tilespmem:v0+s29+$0x1D0 ss:$0x1], $0xffff  }
0x13f: {  	v18 =	vmul.f32 v18, v35;
	v46 =	vadd.f32 v55, v46;
	v40 =	vsub.f32 v40, v22;
	v22 =	vld.idx.msk [tilespmem:v0+s28+$0x1D0 ss:$0x1], $0xffff  }
0x140: {  	v8 =	vadd.f32 v8, v54;
	v53 =	vand.u32 $0x7FFFFFFF, v53;
	v16 =	vsub.f32 v50, v16;
	v50 =	vld.idx.msk [tilespmem:v0+s31+$0xFFFFFFF0 ss:$0x1], $0xffff  }
0x141: {  	v19 =	vsub.f32 v52, v19;
	v57 =	vmul.f32 v30, v36;
	v30 =	vld.idx.msk [tilespmem:v0+s28+$0x1E0 ss:$0x1], $0xffff;
	v33 =	vand.u32 $0x7FFFFFFF, v33  }
0x142: {  	v49 =	vsub.f32 v49, v18;
	v54 =	vmul.f32 v29, v37;
	v32 =	vadd.f32 v33, v5;
	v33 =	vld.idx.msk [tilespmem:v0+s31+$0xFFFFFF90 ss:$0x1], $0xffff  }
0x143: {  	v38 =	vand.u32 $0x7FFFFFFF, v38;
	v26 =	vand.u32 $0x7FFFFFFF, v26;
	v21 =	vand.u32 $0x7FFFFFFF, v21;
	v5 =	vld.idx.msk [tilespmem:v0+s31+$0xFFFFFFD0 ss:$0x1], $0xffff  }
0x144: {  	v52 =	vadd.f32 v46, v53;
	v53 =	vand.u32 $0x7FFFFFFF, v16;
	v10 =	vsub.f32 v24, v57;
	v24 =	vld.idx.msk [tilespmem:v0+s31+$0xFFFFFE10 ss:$0x1], $0xffff  }
0x145: {  	v55 =	vand.u32 $0x7FFFFFFF, v23;
	v58 =	vand.u32 $0x7FFFFFFF, v19;
	v57 =	vld.idx.msk [tilespmem:v0+s29+$0x40 ss:$0x1], $0xffff;
	v17 =	vmul.f32 v1, v37  }
0x146: {  	v49 =	vand.u32 $0x7FFFFFFF, v49;
	v8 =	vadd.f32 v8, v26;
	v1 =	vld [tilespmem:$0x1FED0];
	v32 =	vadd.f32 v32, v38  }
0x147: {  	v18 =	vand.u32 $0xFFFF0000, v62;
	v38 =	vld.idx.msk [tilespmem:v0+s29+$0x1E0 ss:$0x1], $0xffff;
	v52 =	vadd.f32 v52, v53;
	v47 =	vsub.f32 v47, v17  }
0x148: {  	v53 =	vld.idx.msk [tilespmem:v0+s31+$0xFFFFFF20 ss:$0x1], $0xffff;
	v16 =	vsub.f32 v60, v61;
	v17 =	vshll.u32 v62, $0x10;
	v23 =	vsub.f32 v33, v56  }
0x149: {  	v60 =	vld.idx.msk [tilespmem:v0+s28+$0x1C0 ss:$0x1], $0xffff;
	v26 =	vsub.f32 v44, v63;
	v19 =	vshll.u32 v51, $0x10;
	v46 =	vand.u32 $0xFFFF0000, v51  }
0x14a: {  	v51 =	vld.idx.msk [tilespmem:v0+s29+$0x1F0 ss:$0x1], $0xffff;
	v8 =	vadd.f32 v8, v55;
	v61 =	vmul.f32 v18, v16;
	v29 =	vmul.f32 v17, v23  }
0x14b: {  	v21 =	vadd.f32 v32, v21;
	v56 =	vmul.f32 v28, v35;
	v28 =	vsub.f32 v43, v4;
	v4 =	vld.idx.msk [tilespmem:v0+s28+$0x1F0 ss:$0x1], $0xffff  }
0x14c: {  	v39 =	vsub.f32 v39, v54;
	v63 =	vmul.f32 v19, v26;
	v33 =	vld.idx.msk [tilespmem:v0+s28+$0x90 ss:$0x1], $0xffff;
	v62 =	vadd.f32 v61, v29  }
0x14d: {  	v49 =	vadd.f32 v8, v49;
	v8 =	vbroadcast v31, $0xF;
	v31 =	vld.idx.msk [tilespmem:v0+s31+$0xFFFFFE30 ss:$0x1], $0xffff;
	v55 =	vadd.f32 v21, v58  }
0x14e: {  	v58 =	vld.idx.msk [tilespmem:v0+s31+$0xFFFFFEA0 ss:$0x1], $0xffff;
	v29 =	vsub.f32 v5, v60;
	v5 =	vmul.f32 v46, v28;
	v20 =	vadd.f32 v63, v62  }
0x14f: {  	v43 =	vsub.f32 v59, v22;
	v32 =	vmul.f32 v1, v37;
	v1 =	vld [tilespmem:$0x1FF00];
	v14 =	vshll.u32 v38, $0x10  }
0x150: {  	v9 =	vsub.f32 v48, v56;
	v48 =	vld.idx.msk [tilespmem:v0+s28+$0x110 ss:$0x1], $0xffff;
	v59 =	vmul.f32 v14, v29;
	v22 =	vadd.f32 v20, v5  }
0x151: {  	v40 =	vand.u32 $0x7FFFFFFF, v40;
	v44 =	vsub.f32 v50, v30;
	v60 =	vld.idx.msk [tilespmem:v0+s28+$0x0 ss:$0x1], $0xffff;
	v20 =	vand.u32 $0xFFFF0000, v38  }
0x152: {  	v21 =	vshll.u32 v51, $0x10;
	v61 =	vld.idx.msk [tilespmem:v0+s28+$0x10 ss:$0x1], $0xffff;
	v62 =	vmul.f32 v20, v43;
	v22 =	vadd.f32 v22, v59  }
0x153: {  	v54 =	vand.u32 $0x7FFFFFFF, v9;
	v9 =	vand.u32 $0x7FFFFFFF, v10;
	v10 =	vadd.f32 v55, v40;
	v63 =	vld.idx.msk [tilespmem:v0+s28+$0x80 ss:$0x1], $0xffff  }
0x154: {  	v30 =	vsub.f32 v7, v4;
	v4 =	vmul.f32 v21, v44;
	v38 =	vld.idx.msk [tilespmem:v0+s31+$0xFFFFFE90 ss:$0x1], $0xffff;
	v7 =	vadd.f32 v22, v62  }
0x155: {  	v9 =	vadd.f32 v10, v9;
	v10 =	vld.idx.msk [tilespmem:v0+s29+$0xF0 ss:$0x1], $0xffff;
	v22 =	vand.u32 $0xFFFF0000, v51  }
0x156: {  	v62 =	vmul.f32 v1, v35;
	v1 =	vld [tilespmem:$0x1FEE0];
	v5 =	vmul.f32 v22, v30;
	v7 =	vadd.f32 v7, v4  }
0x157: {  	v40 =	vsub.f32 v53, v48;
	v53 =	vld.idx.msk [tilespmem:v0+s28+$0xA0 ss:$0x1], $0xffff  }
0x158: {  	v59 =	vld.idx.msk [tilespmem:v0+s31+$0xFFFFFF10 ss:$0x1], $0xffff;
	v7 =	vadd.f32 v7, v5  }
0x159: {  	v37 =	vsub.f32 v38, v63;
	v38 =	vsub.f32 v58, v33;
	v58 =	vld.idx.msk [tilespmem:v0+s29+$0xC0 ss:$0x1], $0xffff  }
0x15a: {  	v41 =	vand.u32 $0xFFFF0000, v41;
	v51 =	vand.u32 $0xFFFF0000, v34;
	v34 =	vsub.f32 v45, v61;
	v61 =	vld.idx.msk [tilespmem:v0+s28+$0x100 ss:$0x1], $0xffff;
	(xrf2) =	vadd.scan.msk.f32 $0xffff, v7  }
0x15b: {  	v7 =	vadd.f32 v41, v1;
	v1 =	vld [tilespmem:$0x1FF10]  }
0x15c: {  	v47 =	vand.u32 $0x7FFFFFFF, v47;
	v45 =	vld.idx.msk [tilespmem:v0+s29+$0x1A0 ss:$0x1], $0xffff;
	v13 =	vsub.f32 v11, v62  }
0x15d: {  	v47 =	vadd.f32 v52, v47;
	v35 =	vshll.u32 v57, $0x10;
	v63 =	vand.u32 $0x7FFFFFFF, v39;
	v62 =	vld.idx.msk [tilespmem:v0+s29+$0x190 ss:$0x1], $0xffff  }
0x15e: {  	v15 =	vadd.f32 v51, v15;
	v51 =	vld.idx.msk [tilespmem:v0+s31+$0xFFFFFEB0 ss:$0x1], $0xffff;
	v13 =	vand.u32 $0x7FFFFFFF, v13;
	v3 =	vshll.u32 v58, $0x10  }
0x15f: {  	v33 =	vld.idx.msk [tilespmem:v0+s29+$0x1B0 ss:$0x1], $0xffff;
	v39 =	vsub.f32 v59, v61;
	v4 =	vand.u32 $0xFFFF0000, v58;
	v55 =	vmul.f32 v3, v37  }
0x160: {  	v41 =	vsub.f32 v24, v60;
	[tilespmem:$0x1FE70] =	vst v3;
	v56 =	vmul.f32 v4, v38;
	v12 =	vmul.f32 v1, v36;
	v1 =	vld [tilespmem:$0x1FEB0]  }
0x161: {  	v61 =	vld.idx.msk [tilespmem:v0+s29+$0x140 ss:$0x1], $0xffff;
	[tilespmem:$0x1FE80] =	vst v4;
	v3 =	vadd.f32 v49, v54;
	v4 =	vshll.u32 v27, $0x10;
	v27 =	vand.u32 $0xFFFF0000, v27  }
0x162: {  	v5 =	vld.idx.msk [tilespmem:v0+s28+$0x120 ss:$0x1], $0xffff;
	v48 =	vand.u32 $0xFFFF0000, v62;
	v7 =	vsub.f32 v7, v32;
	v50 =	vmul.f32 v35, v41  }
0x163: {  	v49 =	vld.idx.msk [tilespmem:v0+s31+$0xFFFFFF30 ss:$0x1], $0xffff;
	v23 =	vadd.f32 v4, v23;
	v32 =	vshll.u32 v62, $0x10;
	v16 =	vadd.f32 v27, v16  }
0x164: {  	v60 =	vld.idx.msk [tilespmem:v0+s29+$0xD0 ss:$0x1], $0xffff;
	v4 =	vand.u32 $0xFFFF0000, v33;
	v12 =	vsub.f32 v15, v12;
	v15 =	vadd.f32 v47, v63;
	v63, _, _ =	vpop (xrf2)  }
0x165: {  	v58 =	vld.idx.msk [tilespmem:v0+s29+$0xE0 ss:$0x1], $0xffff;
	v26 =	vadd.f32 v32, v26;
	v30 =	vadd.f32 v4, v30;
	v47 =	vbroadcast v63, $0xF  }
0x166: {  	v62 =	vld.idx.msk [tilespmem:v0+s28+$0xB0 ss:$0x1], $0xffff;
	v13 =	vadd.f32 v3, v13;
	v11 =	vand.u32 $0x7FFFFFFF, v7;
	v2 =	vand.u32 $0xFFFF0000, v61  }
0x167: {  	v36 =	vand.u32 $0xFFFF0000, v57;
	v57 =	vld.idx.msk [tilespmem:v0+s31+$0xFFFFFED0 ss:$0x1], $0xffff;
	v17 =	vmul.f32 v17, v47;
	v18 =	vmul.f32 v18, v47  }
0x168: {  	v49 =	vsub.f32 v49, v5;
	v5 =	vadd.f32 v56, v55;
	[tilespmem:v1+s20+$0x0] =	vst.idx.msk $0x1, v8;
	v1 =	vmov v25  }
0x169: {  	v25 =	vld.idx.msk [tilespmem:v0+s28+$0x20 ss:$0x1], $0xffff;
	v17 =	vsub.f32 v23, v17;
	v16 =	vsub.f32 v16, v18;
	v18 =	vmul.f32 v19, v47  }
0x16a: {  	v46 =	vmul.f32 v46, v47;
	[tilespmem:$0x1FEB0] =	vst v1;
	v1 =	vshll.u32 v61, $0x10;
	v59 =	vld.idx.msk [tilespmem:v0+s29+$0x50 ss:$0x1], $0xffff;
	v23 =	vadd.f32 v48, v28  }
0x16b: {  	v61 =	vld.idx.msk [tilespmem:v0+s31+$0xFFFFFE40 ss:$0x1], $0xffff;
	v17 =	vand.u32 $0x7FFFFFFF, v17;
	v16 =	vand.u32 $0x7FFFFFFF, v16;
	v18 =	vsub.f32 v26, v18  }
0x16c: {  	v14 =	vmul.f32 v14, v47;
	v56 =	vld.idx.msk [tilespmem:v0+s31+$0xFFFFFE60 ss:$0x1], $0xffff;
	v28 =	vshll.u32 v45, $0x10;
	v16 =	vadd.f32 v16, v17  }
0x16d: {  	v19 =	vld.idx.msk [tilespmem:v0+s29+$0x150 ss:$0x1], $0xffff;
	v28 =	vadd.f32 v28, v29;
	v23 =	vsub.f32 v23, v46;
	v18 =	vand.u32 $0x7FFFFFFF, v18  }
0x16e: {  	v20 =	vmul.f32 v20, v47;
	v29 =	vand.u32 $0xFFFF0000, v45;
	v26 =	vld.idx.msk [tilespmem:v0+s28+$0x30 ss:$0x1], $0xffff;
	v16 =	vadd.f32 v16, v18  }
0x16f: {  	v29 =	vadd.f32 v29, v43;
	v17 =	vld.idx.msk [tilespmem:v0+s31+$0xFFFFFEC0 ss:$0x1], $0xffff;
	v14 =	vsub.f32 v28, v14;
	v23 =	vand.u32 $0x7FFFFFFF, v23  }
0x170: {  	v63 =	vshll.u32 v33, $0x10;
	v21 =	vmul.f32 v21, v47;
	v28 =	vld.idx.msk [tilespmem:v0+s28+$0x130 ss:$0x1], $0xffff;
	v16 =	vadd.f32 v16, v23  }
0x171: {  	v43 =	vadd.f32 v63, v44;
	v20 =	vsub.f32 v29, v20;
	v29 =	vld.idx.msk [tilespmem:v0+s28+$0x40 ss:$0x1], $0xffff;
	v14 =	vand.u32 $0x7FFFFFFF, v14  }
0x172: {  	v27 =	vmul.f32 v2, v40;
	v32 =	vand.u32 $0xFFFF0000, v60;
	v18 =	vld.idx.msk [tilespmem:v0+s31+$0xFFFFFF40 ss:$0x1], $0xffff;
	v14 =	vadd.f32 v16, v14  }
0x173: {  	v23 =	vld.idx.msk [tilespmem:v0+s31+$0xFFFFFE50 ss:$0x1], $0xffff;
	v16 =	vand.u32 $0x7FFFFFFF, v20;
	v20 =	vsub.f32 v43, v21;
	v21 =	vmul.f32 v22, v47  }
0x174: {  	v52 =	vmul.f32 v36, v34;
	v11 =	vadd.f32 v15, v11;
	v22 =	vld.idx.msk [tilespmem:v0+s28+$0xC0 ss:$0x1], $0xffff;
	v14 =	vadd.f32 v14, v16  }
0x175: {  	v47 =	vsub.f32 v31, v25;
	v25 =	vld.idx.msk [tilespmem:v0+s31+$0xFFFFFF50 ss:$0x1], $0xffff;
	v16 =	vand.u32 $0x7FFFFFFF, v20;
	v20 =	vsub.f32 v30, v21  }
0x176: {  	v54 =	vmul.f32 v1, v39;
	v48 =	vsub.f32 v51, v53;
	v31 =	vld.idx.msk [tilespmem:v0+s29+$0x60 ss:$0x1], $0xffff;
	v14 =	vadd.f32 v14, v16  }
0x177: {  	v43 =	vshll.u32 v19, $0x10;
	v51 =	vsub.f32 v18, v28;
	v28 =	vld.idx.msk [tilespmem:v0+s31+$0xFFFFFEE0 ss:$0x1], $0xffff;
	v20 =	vand.u32 $0x7FFFFFFF, v20  }
0x178: {  	v27 =	vadd.f32 v27, v54;
	v63 =	vmul.f32 v43, v49;
	v30 =	vld.idx.msk [tilespmem:v0+s28+$0x140 ss:$0x1], $0xffff;
	v14 =	vadd.f32 v14, v20  }
0x179: {  	v12 =	vand.u32 $0x7FFFFFFF, v12;
	v33 =	vshll.u32 v60, $0x10;
	v53 =	vsub.f32 v23, v29;
	v29 =	vld.idx.msk [tilespmem:v0+s28+$0xD0 ss:$0x1], $0xffff  }
0x17a: {  	v45 =	vshll.u32 v59, $0x10;
	v46 =	vand.u32 $0xFFFF0000, v59;
	v27 =	vadd.f32 v63, v27;
	(xrf2) =	vadd.scan.msk.f32 $0xffff, v14;
	v14 =	vld.idx.msk [tilespmem:v0+s28+$0x50 ss:$0x1], $0xffff  }
0x17b: {  	v21 =	vmul.f32 v45, v47;
	v63 =	vld.idx.msk [tilespmem:v0+s31+$0xFFFFFE70 ss:$0x1], $0xffff;
	v16 =	vadd.f32 v52, v50;
	v50 =	vsub.f32 v61, v26  }
0x17c: {  	v61 =	vld.idx.msk [tilespmem:v0+s29+$0x160 ss:$0x1], $0xffff;
	v52 =	vsub.f32 v17, v62;
	v26 =	vand.u32 $0xFFFF0000, v19;
	v19 =	vshll.u32 v58, $0x10  }
0x17d: {  	[tilespmem:$0x1FEA0] =	vst v2;
	v44 =	vshll.u32 v31, $0x10;
	v55 =	vsub.f32 v57, v22;
	v57 =	vld.idx.msk [tilespmem:v0+s28+$0x150 ss:$0x1], $0xffff;
	v2 =	vand.u32 $0xFFFF0000, v31  }
0x17e: {  	v20 =	vmul.f32 v33, v48;
	v17 =	vadd.f32 v21, v16;
	v54 =	vsub.f32 v25, v30;
	v25 =	vld.idx.msk [tilespmem:v0+s31+$0xFFFFFF60 ss:$0x1], $0xffff  }
0x17f: {  	v18 =	vmul.f32 v46, v50;
	v4 =	vmul.f32 v32, v52;
	v56 =	vsub.f32 v56, v14;
	v14 =	vld.idx.msk [tilespmem:v0+s28+$0x60 ss:$0x1], $0xffff  }
0x180: {  	v31 =	vld.idx.msk [tilespmem:v0+s31+$0xFFFFFEF0 ss:$0x1], $0xffff;
	v62 =	vmul.f32 v44, v53;
	v20 =	vadd.f32 v20, v5;
	v5 =	vmul.f32 v26, v51  }
0x181: {  	v60 =	vmul.f32 v19, v55;
	v30 =	vadd.f32 v17, v18;
	v59 =	vsub.f32 v28, v29;
	v28 =	vld.idx.msk [tilespmem:v0+s28+$0xE0 ss:$0x1], $0xffff  }
0x182: {  	s0 =	smov.u32 s30;
	[tilespmem:$0x1FE90] =	vst v1;
	v17 =	vand.u32 $0xFFFF0000, v58;
	v29 =	vld.idx.msk [tilespmem:v0+s31+$0xFFFFFF70 ss:$0x1], $0xffff;
	v21 =	vshll.u32 v61, $0x10;
	v27 =	vadd.f32 v27, v5  }
0x183: {  	s0 =	sadd.s32 s0, s25;
	v1 =	vmul.f32 v21, v54;
	v30 =	vadd.f32 v30, v62;
	v62 =	vsub.f32 v25, v57;
	v25 =	vld.idx.msk [tilespmem:v0+s28+$0x160 ss:$0x1], $0xffff  }
0x184: {  	s15 =	sadd.s32 $0x7, s0;
	v23 =	vand.u32 $0xFFFF0000, v61;
	v20 =	vadd.f32 v20, v4;
	v8 =	vsub.f32 v63, v14;
	v63 =	vld.idx.msk [tilespmem:v0+s29+$0x170 ss:$0x1], $0xffff  }
0x185: {  	v1 =	vadd.f32 v27, v1;
	v27 =	vmov s15;
	v58 =	vmul.f32 v2, v56;
	v5, _, _ =	vpop (xrf2)  }
0x186: {  	v4 =	vmul.f32 v17, v59;
	v20 =	vadd.f32 v20, v60;
	v60 =	vld.idx.msk [tilespmem:v0+s29+$0x70 ss:$0x1], $0xffff;
	v5 =	vadd.f32 $0.0e+00, v5  }
0x187: {  	v3 =	vld.idx.msk [tilespmem:v0+s31+$0xFFFFFF00 ss:$0x1], $0xffff;
	v22 =	vsub.f32 v31, v28;
	v58 =	vadd.f32 v30, v58;
	v30 =	vmul.f32 v23, v62  }
0x188: {  	v61 =	vadd.f32 v20, v4;
	v4 =	vld [tilespmem:$0x1FF40];
	v24 =	vsub.f32 v29, v25;
	v57 =	vbroadcast v5, $0xF  }
0x189: {  	v15 =	vld.idx.msk [tilespmem:v0+s31+$0xFFFFFE80 ss:$0x1], $0xffff;
	v28 =	vshll.u32 v10, $0x10;
	v1 =	vadd.f32 v1, v30;
	v30 =	vshll.u32 v63, $0x10  }
0x18a: {  	[tilespmem:v27+s20+$0x0] =	vst.idx.msk $0x1, v57;
	v57 =	vadd.f32 v9, v12;
	v12 =	vand.u32 $0xFFFF0000, v10;
	v10 =	vmul.f32 v30, v24  }
0x18b: {  	v29 =	vshll.u32 v60, $0x10;
	v7 =	vand.u32 $0xFFFF0000, v60;
	v60 =	vld.idx.msk [tilespmem:v0+s28+$0xF0 ss:$0x1], $0xffff  }
0x18c: {  	s2 =	sadd.s32 $0x4, s0;
	v10 =	vadd.f32 v1, v10;
	v1 =	vld [tilespmem:$0x1FEF0]  }
0x18d: {  	[tilespmem:$0x1FEC0] =	vst v2;
	v2 =	vmov s2;
	v5 =	vadd.f32 $0.0e+00, v4;
	v4 =	vld [tilespmem:$0x1FF50]  }
0x18e: {  	v2 =	vand.u32 $0xFFFFFFFC, v2;
	(xrf2) =	vadd.scan.msk.f32 $0xffff, v11;
	v27 =	vld.idx.msk [tilespmem:v0+s28+$0x70 ss:$0x1], $0xffff  }
0x18f: {  	v16 =	vbroadcast v2, $0x0;
	v2 =	vld [tilespmem:$0x1FFA0];
	(xrf2) =	vadd.scan.msk.f32 $0xffff, v13;
	v13 =	vmul.f32 v28, v22  }
0x190: {  	v11 =	vmul.f32 v29, v8  }
0x191: {  	v61 =	vadd.f32 v61, v13  }
0x192: {  	s14 =	sadd.s32 $0x5, s0;
	v58 =	vadd.f32 v58, v11;
	v5 =	vbroadcast v5, $0xF;
	v6 =	vadd.f32 $0.0e+00, v4  }
0x193: {  	v31 =	vmov s14;
	v13 =	vsub.f32 v3, v60;
	v11 =	vsub.f32 v15, v27;
	v27 =	vld.idx.msk [tilespmem:v0+s29+$0x80 ss:$0x1], $0xffff  }
0x194: {  	v15 =	vand.u32 $0xFFFFFFFD, v31;
	v3 =	vbroadcast v6, $0xF;
	v6 =	vld.idx.msk [tilespmem:v0+s29+$0x90 ss:$0x1], $0xffff;
	[tilespmem:v1+s20+$0x0] =	vst.idx.msk $0x1, v5;
	v1 =	vmov v2  }
0x195: {  	[tilespmem:$0x1FEF0] =	vst v1;
	v1 =	vbroadcast v15, $0x0  }
0x196: {  	v9 =	vld.idx.msk [tilespmem:v0+s28+$0x170 ss:$0x1], $0xffff  }
0x197: {  	[tilespmem:$0x1FFA0] =	vst v1;
	v1 =	vld [tilespmem:$0x1FF30]  }
0x198: {  	(xrf2) =	vadd.scan.msk.f32 $0xffff, v57;
	v4 =	vld.idx.msk [tilespmem:v0+s31+$0xFFFFFF80 ss:$0x1], $0xffff  }
0x199: {  	v31 =	vmul.f32 v7, v11;
	_ =	sdelay $0x1  }
0x19a: {  	s0 =	sadd.s32 $0x6, s0;
	v5 =	vadd.f32 v58, v31  }
0x19b: {  	v25 =	vmov s0;
	v14 =	vand.u32 $0xFFFF0000, v63;
	v63 =	vld.idx.msk [tilespmem:v0+s29+$0x0 ss:$0x1], $0xffff  }
0x19c: {  	v18 =	vand.u32 $0xFFFFFFFE, v25;
	v25 =	vld.idx.msk [tilespmem:v0+s29+$0x10 ss:$0x1], $0xffff;
	v58 =	vmul.f32 v12, v13;
	v15 =	vsub.f32 v4, v9;
	v4, _, _ =	vpop (xrf2);
	(xrf2) =	vadd.scan.msk.f32 $0xffff, v5  }
0x19d: {  	v57 =	vld.idx.msk [tilespmem:v0+s29+$0x100 ss:$0x1], $0xffff  }
0x19e: {  	v9 =	vld.idx.msk [tilespmem:v0+s29+$0x110 ss:$0x1], $0xffff;
	[tilespmem:v1+s20+$0x0] =	vst.idx.msk $0x1, v3;
	v3 =	vadd.f32 v61, v58  }
0x19f: {  	[tilespmem:$0x1FED0] =	vst v7  }
0x1a0: {  	v60 =	vshll.u32 v63, $0x10;
	v20 =	vadd.f32 $0.0e+00, v4;
	v4 =	vshll.u32 v27, $0x10;
	v7, _, _ =	vpop (xrf2);
	(xrf2) =	vadd.scan.msk.f32 $0xffff, v3  }
0x1a1: {  	v63 =	vand.u32 $0xFFFF0000, v63;
	[tilespmem:$0x1FEE0] =	vst v11;
	v4 =	vadd.f32 v4, v37;
	v37 =	vshll.u32 v6, $0x10;
	v11, _, _ =	vpop (xrf2)  }
0x1a2: {  	v6 =	vand.u32 $0xFFFF0000, v6;
	[tilespmem:$0x1FF50] =	vst v11;
	v1 =	vmovc v42;
	v42 =	vmul.f32 v14, v15;
	v61 =	vshll.u32 v25, $0x10  }
0x1a3: {  	[tilespmem:$0x1FF30] =	vst v1;
	v1 =	vld.idx.msk [tilespmem:v0+s29+$0xA0 ss:$0x1], $0xffff;
	v11 =	vadd.f32 v61, v47;
	v61 =	vadd.f32 v6, v52;
	v6 =	vand.u32 $0xFFFF0000, v9  }
0x1a4: {  	v31 =	vadd.f32 v63, v34;
	[tilespmem:$0x1FF40] =	vst v7;
	v7 =	vadd.f32 v60, v41  }
0x1a5: {  	[tilespmem:$0x1FF00] =	vst v12;
	v2 =	vld.idx.msk [tilespmem:v0+s29+$0x20 ss:$0x1], $0xffff;
	v58 =	vshll.u32 v57, $0x10;
	v57 =	vand.u32 $0xFFFF0000, v57;
	v10 =	vadd.f32 v10, v42  }
0x1a6: {  	[tilespmem:$0x1FF10] =	vst v14;
	v27 =	vand.u32 $0xFFFF0000, v27;
	v63 =	vadd.f32 v57, v40;
	v57 =	vadd.f32 v6, v51;
	v6, _, _ =	vpop (xrf2)  }
0x1a7: {  	v12 =	vadd.f32 v37, v48;
	v14 =	vmovc v8;
	v8 =	vshll.u32 v9, $0x10;
	v5 =	vld.idx.msk [tilespmem:v0+s29+$0x120 ss:$0x1], $0xffff;
	(xrf2) =	vadd.scan.msk.f32 $0xffff, v10;
	v37 =	vbroadcast v6, $0xF  }
0x1a8: {  	v3 =	vadd.f32 v27, v38;
	v10 =	vshll.u32 v1, $0x10;
	v1 =	vand.u32 $0xFFFF0000, v1  }
0x1a9: {  	v38 =	vadd.f32 v8, v49;
	v49 =	vadd.f32 v1, v59;
	v1 =	vmul.f32 v35, v37  }
0x1aa: {  	v60 =	vadd.f32 v58, v39;
	v58 =	vand.u32 $0xFFFF0000, v25;
	v9 =	vshll.u32 v2, $0x10;
	v59, _, _ =	vpop (xrf2)  }
0x1ab: {  	v2 =	vand.u32 $0xFFFF0000, v2;
	v1 =	vsub.f32 v7, v1;
	v35 =	vbroadcast v59, $0xF  }
0x1ac: {  	v58 =	vadd.f32 v58, v50;
	v47 =	vadd.f32 v2, v56;
	v2 =	vand.u32 $0xFFFF0000, v5  }
0x1ad: {  	v51 =	vadd.f32 v10, v55;
	v55 =	vand.u32 $0x7FFFFFFF, v1;
	v1 =	vmul.f32 v33, v35  }
0x1ae: {  	v8 =	vshll.u32 v5, $0x10;
	v40 =	vadd.f32 v2, v62;
	v6 =	vmul.f32 v45, v37;
	v62 =	vld [tilespmem:$0x1FE70]  }
0x1af: {  	v52 =	vadd.f32 v8, v54;
	v54 =	vsub.f32 v12, v1;
	v1 =	vld [tilespmem:$0x1FE90]  }
0x1b0: {  	v50 =	vadd.f32 v9, v53;
	v53 =	vmul.f32 v46, v37;
	v46 =	vsub.f32 v11, v6;
	v6 =	vld [tilespmem:$0x1FE80]  }
0x1b1: {  	v41 =	vld.idx.msk [tilespmem:v0+s29+$0x30 ss:$0x1], $0xffff;
	v7, _, _ =	vpop (xrf2)  }
0x1b2: {  	v34 =	vld.idx.msk [tilespmem:v0+s29+$0x130 ss:$0x1], $0xffff;
	v2 =	vmul.f32 v36, v37;
	v36 =	vbroadcast v7, $0xF  }
0x1b3: {  	s30 =	sadd.s32 $0x4, s30;
	v42 =	vld.idx.msk [tilespmem:v0+s29+$0xB0 ss:$0x1], $0xffff  }
0x1b4: {  	p0 =	slt.u32 s30, $0x3C;
	v59 =	vmul.f32 v1, v36;
	v1 =	vld [tilespmem:$0x1FEA0]  }
.Ltmp0:
0x1b5: {  	v2 =	vsub.f32 v31, v2;
	v5 =	vmul.f32 v62, v35;
	v6 =	vmul.f32 v6, v35;
	(pc) =	sbr.rel @p0 .LBB2_3-.Ltmp0, $4  }
0x1b6: {  	v25 =	vmovc v16;
	v16 =	vmovc v44;
	v39 =	vshll.u32 v41, $0x10;
	v27 =	vmov v18;
	v18 =	vmov v17  }
0x1b7: {  	v17 =	vmovc v21;
	v21 =	vmovc v26;
	v56 =	vand.u32 $0x7FFFFFFF, v2;
	v2 =	vsub.f32 v4, v5;
	v3 =	vsub.f32 v3, v6  }
0x1b8: {  	v26 =	vmovc v32;
	v48 =	vshll.u32 v42, $0x10;
	v45 =	vshll.u32 v34, $0x10;
	v31 =	vmovc v20;
	v43 =	vmul.f32 v43, v36  }
0x1b9: {  	s31 =	sadd.s32 $0x200, s31;
	v20 =	vmovc v22;
	v22 =	vmovc v23;
	v8 =	vand.u32 $0x7FFFFFFF, v2;
	v32 =	vand.u32 $0x7FFFFFFF, v3;
	v33 =	vmul.f32 v1, v36  }
0x1ba: {  	v0 =	vsub.f32 v60, v59;
	v1 =	vmul.f32 v26, v35  }
0x1bb: {  	v3 =	vadd.f32 v56, v55;
	v4 =	vsub.f32 v38, v43;
	v5 =	vmul.f32 v21, v36  }
0x1bc: {  	v6 =	vadd.f32 v32, v8;
	v7 =	vand.u32 $0x7FFFFFFF, v46;
	v60 =	vand.u32 $0x7FFFFFFF, v54  }
0x1bd: {  	v62 =	vsub.f32 v58, v53;
	v9 =	vmul.f32 v16, v37;
	v10 =	vmul.f32 v19, v35  }
0x1be: {  	v18 =	vmul.f32 v18, v35;
	v26 =	vmul.f32 v29, v37;
	v29 =	vadd.f32 v39, v14  }
0x1bf: {  	v19 =	vmul.f32 v22, v36;
	v11 =	vadd.f32 v48, v20;
	v32 =	vadd.f32 v45, v24  }
0x1c0: {  	v38 =	vand.u32 $0xFFFF0000, v41;
	v39 =	vand.u32 $0xFFFF0000, v42;
	v2 =	vsub.f32 v63, v33  }
0x1c1: {  	v63 =	vmul.f32 v17, v36;
	v33 =	vmul.f32 v30, v36;
	v1 =	vsub.f32 v61, v1  }
0x1c2: {  	v0 =	vand.u32 $0x7FFFFFFF, v0;
	v5 =	vsub.f32 v57, v5;
	v3 =	vadd.f32 v3, v7  }
0x1c3: {  	v41 =	vld [tilespmem:$0x1FED0];
	v4 =	vand.u32 $0x7FFFFFFF, v4;
	v6 =	vadd.f32 v6, v60;
	v12 =	vsub.f32 v50, v9  }
0x1c4: {  	v43 =	vld [tilespmem:$0x1FEE0];
	v16 =	vsub.f32 v51, v10;
	v23 =	vsub.f32 v49, v18;
	v2 =	vand.u32 $0x7FFFFFFF, v2  }
0x1c5: {  	v51 =	vbroadcast v31, $0xF;
	v7 =	vsub.f32 v52, v63;
	v0 =	vadd.f32 v2, v0  }
0x1c6: {  	v17 =	vld [tilespmem:$0x1FEC0];
	v2 =	vand.u32 $0x7FFFFFFF, v62;
	v1 =	vand.u32 $0x7FFFFFFF, v1;
	v5 =	vand.u32 $0x7FFFFFFF, v5  }
0x1c7: {  	v21 =	vand.u32 $0x7FFFFFFF, v16;
	v8 =	vand.u32 $0x7FFFFFFF, v23;
	v2 =	vadd.f32 v3, v2  }
0x1c8: {  	v1 =	vadd.f32 v6, v1;
	v7 =	vand.u32 $0x7FFFFFFF, v7;
	v3 =	vsub.f32 v40, v19  }
0x1c9: {  	v42 =	vld [tilespmem:$0x1FF00];
	v40 =	vand.u32 $0xFFFF0000, v34;
	v10 =	vmul.f32 v41, v37;
	v6 =	vadd.f32 v38, v43  }
0x1ca: {  	v0 =	vadd.f32 v0, v4;
	v4 =	vand.u32 $0x7FFFFFFF, v12;
	v45 =	vadd.f32 v40, v15  }
0x1cb: {  	v56 =	vld [tilespmem:$0x1FEB0];
	v9 =	vmul.f32 v17, v37;
	v2 =	vadd.f32 v2, v4;
	v1 =	vadd.f32 v1, v21  }
0x1cc: {  	v44 =	vld [tilespmem:$0x1FF10];
	v12 =	vmul.f32 v28, v35;
	v4 =	vsub.f32 v32, v33;
	v6 =	vsub.f32 v6, v10  }
0x1cd: {  	v3 =	vand.u32 $0x7FFFFFFF, v3;
	v0 =	vadd.f32 v0, v5;
	v22 =	vsub.f32 v47, v9  }
0x1ce: {  	v9 =	vsub.f32 v29, v26;
	v11 =	vsub.f32 v11, v12;
	v12 =	vmul.f32 v42, v35  }
0x1cf: {  	v1 =	vadd.f32 v1, v8;
	v0 =	vadd.f32 v0, v7;
	v5 =	vand.u32 $0x7FFFFFFF, v22  }
0x1d0: {  	v47 =	vand.u32 $0x7FFFFFFF, v4;
	v7 =	vadd.f32 v39, v13;
	v2 =	vadd.f32 v2, v5  }
0x1d1: {  	v9 =	vand.u32 $0x7FFFFFFF, v9;
	v5 =	vmul.f32 v44, v36;
	v0 =	vadd.f32 v0, v3  }
0x1d2: {  	v50 =	vld [tilespmem:$0x1FF40];
	v46 =	vand.u32 $0x7FFFFFFF, v11;
	v48 =	vsub.f32 v7, v12;
	v2 =	vadd.f32 v2, v9  }
0x1d3: {  	v52 =	vld [tilespmem:$0x1FF50];
	[tilespmem:v56+s20+$0x0] =	vst.idx.msk $0x1, v51;
	v6 =	vand.u32 $0x7FFFFFFF, v6;
	v1 =	vadd.f32 v1, v46;
	v5 =	vsub.f32 v45, v5  }
0x1d4: {  	v4 =	vand.u32 $0x7FFFFFFF, v48;
	v0 =	vadd.f32 v0, v47;
	v2 =	vadd.f32 v2, v6;
	v6 =	vld [tilespmem:$0x1FEF0]  }
0x1d5: {  	v49 =	vand.u32 $0x7FFFFFFF, v5;
	v1 =	vadd.f32 v1, v4  }
0x1d6: {  	v0 =	vadd.f32 v0, v49;
	(xrf2) =	vadd.scan.msk.f32 $0xffff, v2  }
0x1d7: {  	(xrf2) =	vadd.scan.msk.f32 $0xffff, v1  }
0x1d8: {  	(xrf2) =	vadd.scan.msk.f32 $0xffff, v0;
	v0 =	vadd.f32 $0.0e+00, v50;
	_ =	sdelay $0x1  }
0x1d9: {  	v0 =	vbroadcast v0, $0xF;
	_ =	sdelay $0x1  }
0x1da: {  	[tilespmem:v6+s20+$0x0] =	vst.idx.msk $0x1, v0  }
0x1db: {  	v60 =	vld [tilespmem:$0x1FF30];
	_ =	sdelay $0x3  }
0x1dc: {  	v2 =	vadd.f32 $0.0e+00, v52;
	v53, _, _ =	vpop (xrf2)  }
0x1dd: {  	v3 =	vadd.f32 $0.0e+00, v53  }
0x1de: {  	v57 =	vbroadcast v2, $0xF  }
0x1df: {  	v59 =	vbroadcast v3, $0xF  }
0x1e0: {  	[tilespmem:v60+s20+$0x0] =	vst.idx.msk $0x1, v57  }
0x1e1: {  	[tilespmem:v25+s20+$0x0] =	vst.idx.msk $0x1, v59  }
0x1e2: {  	v63 =	vld [tilespmem:$0x1FFA0]  }
0x1e3: {  	v54 =	vbroadcast v27, $0x0;
	v55, _, _ =	vpop (xrf2)  }
0x1e4: {  	s26 =	sadd.s32 $0x1, s26;
	v58, _, _ =	vpop (xrf2)  }
0x1e5: {  	p0 =	sne.s32 s26, $0x8;
	v2 =	vadd.f32 $0.0e+00, v58  }
.Ltmp1:
0x1e6: {  	v5 =	vadd.f32 $0.0e+00, v55;
	(pc) =	sbr.rel @p0 .LBB2_2-.Ltmp1, $4  }
0x1e7: {  	v62 =	vbroadcast v2, $0xF  }
0x1e8: {  	v61 =	vbroadcast v5, $0xF  }
0x1e9: {  	s25 =	sadd.s32 $0x40, s25;
	[tilespmem:v54+s20+$0x0] =	vst.idx.msk $0x1, v62  }
0x1ea: {  	s23 =	sadd.s32 $0x2000, s23;
	s24 =	sadd.s32 $0x2000, s24;
	s22 =	sadd.s32 $0x2000, s22;
	[tilespmem:v63+s20+$0x0] =	vst.idx.msk $0x1, v61  }
0x1eb: {  	s21 =	sadd.s32 $0x1, s21  }
0x1ec: {  	p0 =	sne.s32 s21, s9  }
.Ltmp2:
0x1ed: {  	_ = 	snop;
	(pc) =	sbr.rel @p0 .LBB2_1-.Ltmp2, $4  }
0x1ee: {  	[hbm4b:s8+s3] =	stream.linear.scatter [tilespmem:s20], [sflag:$0x4], $0x200, $0x38;
	[tilespmem:$0x12800] =	vst v63  }
0x1ef: {  	_ =	swait.ge [sflag:s10], $0x200  }
0x1f0: {  	[sflag:s10] =	ssyncset.done $0x0  }
0x1f1: {  	[sflag:s10] =	ssyncadd.s32 $0xFFFFFE00  }
0x1f2: {  	_ =	sfence.sel $0x180000  }
0x1f3: {  	[bflag:$0x0] =	sbarrier.arrive $0xFFFF  }
0x1f4: {  	_ =	strace $0x90000047  }
0x1f5: {  	s0 =	stileid.u32;
	[bflag:$0x2] =	sbarrier.arrive $0xFFFF  }
0x1f6: {  	p0 =	sne.s32 s0, $0x0;
	s0 =	rddreg [dreg:$0x6]  }
0x1f7: {  	s0 =	sadd.s32 @!p0 $0x100000, s0  }
0x1f8: {  	[sflag:s0] =	ssyncadd.tile.s32 @!p0 $0x1;
	_ =	shalt  }
.Lfunc_end2:
_tile_overlayer_lowered:
.L_overlay_start_2:
0x1f9: {  	(tag) =	ssettag $0x2  }
0x1fa: {  	s0 =	rddreg [dreg:$0x0];
	s2 =	stileid.u32  }
0x1fb: {  	s1 =	rddreg [dreg:$0x1];
	p0 =	sne.s32 s2, $0x0  }
0x1fc: {  	s3 =	rddreg [dreg:$0x2];
	[bflag:$0x3] =	sbarrier.arrive $0xFFFF;
	s2 =	simm.s32 @!p0 $0x1C04  }
0x1fd: {  	[timem:s3], [sflag:s2] =	dma.local @!p0 [hbm:s0], s1  }
0x1fe: {  	s0 =	simm.s32 @!p0 $0x4  }
0x1ff: {  	_ =	swait.ge @!p0 [sflag:s0], s1  }
0x200: {  	s1 =	ssub.s32 @!p0 $0x0, s1;
	[sflag:s0] =	ssyncset.done @!p0 $0x0  }
0x201: {  	[sflag:s0] =	ssyncadd.s32 @!p0 s1  }
0x202: {  	[bflag:$0x3] =	sbarrier.arrive $0xFFFF  }
0x203: {  	_ =	shalt  }

</sc_bundles>
